<compile_context>
chip_gen: v7x
topology: tpu7x:2x2x1
jax: 0.10.2.dev20260603
libtpu: 0.0.44.dev20260713+nightly
codegen_flags: <defaults>
</compile_context>

<pallas_src>
import functools

import jax
import jax.numpy as jnp
from jax import lax
from jax.experimental import pallas as pl
from jax.experimental.pallas import tpu as pltpu
from jax.experimental.pallas import tpu_sc as plsc

_N = 5000
_D = _H = _W = 192
_HW = _H * _W
_CHS = _D * _H * _W

_NC = 2
_NS = 16
_NW = _NC * _NS
_CHUNK = 160
_NPAD = _NW * _CHUNK
_G = _CHUNK // 16
_GH = _G // 2
_NIDX = 6 * _CHUNK
_HALF = _NIDX // 2

_mesh = plsc.VectorSubcoreMesh(core_axis_name="c", subcore_axis_name="s")


@functools.partial(
    pl.kernel,
    mesh=_mesh,
    compiler_params=pltpu.CompilerParams(needs_layout_passes=False),
    out_type=jax.ShapeDtypeStruct((3 * _NPAD,), jnp.float32),
    scratch_types=[
        pltpu.VMEM((3 * _CHUNK,), jnp.float32),
        pltpu.VMEM((3 * _CHUNK,), jnp.float32),
        pltpu.VMEM((3 * _CHUNK,), jnp.float32),
        pltpu.VMEM((128,), jnp.float32),
        pltpu.VMEM((_NIDX,), jnp.int32),
        pltpu.VMEM((_NIDX,), jnp.float32),
        pltpu.VMEM((3 * _CHUNK,), jnp.float32),
        pltpu.SemaphoreType.DMA,
    ],
)
def _trl_sc(fix_hbm, mov_hbm, field_hbm, sp_hbm, out_hbm,
            mvr, fvr, mv, spv, idxv, valsv, ov, sem):
    wid = lax.axis_index("s") * _NC + lax.axis_index("c")
    base = wid * 3 * _CHUNK

    in_copies = [
        pltpu.async_copy(mov_hbm.at[pl.ds(base, 3 * _CHUNK)], mvr, sem),
        pltpu.async_copy(fix_hbm.at[pl.ds(base, 3 * _CHUNK)], fvr, sem),
        pltpu.async_copy(sp_hbm, spv, sem),
    ]
    for cp in in_copies:
        cp.wait()

    lane3 = lax.iota(jnp.int32, 16) * 3

    seg = _HALF // 6
    copies = []
    for h in range(2):
        for j in range(_GH):
            i = h * _GH + j
            ix = lane3 + i * 48
            x = plsc.load_gather(mvr, [ix])
            y = plsc.load_gather(mvr, [ix + 1])
            z = plsc.load_gather(mvr, [ix + 2])
            mv[pl.ds(i * 16, 16)] = x
            mv[pl.ds(_CHUNK + i * 16, 16)] = y
            mv[pl.ds(2 * _CHUNK + i * 16, 16)] = z
            xf = x.astype(jnp.int32)
            yf = y.astype(jnp.int32)
            zf = z.astype(jnp.int32)
            xc = jnp.where(x > xf.astype(jnp.float32), xf + 1, xf)
            yc = jnp.where(y > yf.astype(jnp.float32), yf + 1, yf)
            zc = jnp.where(z > zf.astype(jnp.float32), zf + 1, zf)
            flat_f = xf * _HW + yf * _W + zf
            flat_c = xc * _HW + yc * _W + zc
            o = h * _HALF + j * 16
            for ch in range(3):
                ff = flat_f + ch * _CHS
                fc = flat_c + ch * _CHS
                idxv[pl.ds(o + ch * seg, 16)] = ff
                idxv[pl.ds(o + (3 + ch) * seg, 16)] = fc
        copies.append(
            pltpu.async_copy(field_hbm.at[idxv.at[pl.ds(h * _HALF, _HALF)]],
                             valsv.at[pl.ds(h * _HALF, _HALF)], sem))
    for cp in copies:
        cp.wait()

    for ch in range(3):
        sp = spv[pl.ds(ch * 16, 16)]
        for i in range(_G):
            h, j = divmod(i, _GH)
            o = h * _HALF + j * 16
            f = valsv[pl.ds(o + ch * seg, 16)]
            c = valsv[pl.ds(o + (3 + ch) * seg, 16)]
            fx = plsc.load_gather(fvr, [lane3 + i * 48 + ch])
            disp = (f + c) * 0.5
            res = (mv[pl.ds(ch * _CHUNK + i * 16, 16)] + disp - fx) * sp
            plsc.store_scatter(ov, [lane3 + i * 48 + ch], res)
    pltpu.sync_copy(ov, out_hbm.at[pl.ds(base, 3 * _CHUNK)])


def kernel(fixed_landmarks, moving_landmarks, displacement_field,
           fixed_spacing, moving_spacing):
    pad = jnp.zeros((3 * _NPAD - 3 * _N,), jnp.float32)
    mov_flat = jnp.concatenate([moving_landmarks.reshape(3 * _N), pad])
    fix_flat = jnp.concatenate([fixed_landmarks.reshape(3 * _N), pad])
    field_flat = displacement_field.reshape(3 * _CHS)
    sp_b = jnp.concatenate([
        jnp.broadcast_to(moving_spacing.reshape(3, 1), (3, 16)).reshape(48),
        jnp.zeros((80,), jnp.float32),
    ])
    out_flat = _trl_sc(fix_flat, mov_flat, field_flat, sp_b)
    return out_flat[:3 * _N].reshape(_N, 3)

# --- scband reference (transcript-rebuilt; emitter-appended) ---
"""Pipeline reference for scband-total-registration-loss-12154757447845 (READ-ONLY COPY).

The authoritative reference and input builder live on the scoring server;
editing this copy changes nothing except your own understanding.
"""

import jax, jax.numpy as jnp
import numpy as np

N_LM = 5000
D = H = W = 192


def setup_inputs(seed: int = 0) -> dict:
    key = jax.random.key(seed)
    k1, k2, k3, k4, k5 = jax.random.split(key, 5)
    # landmark coordinates live inside the volume; ceil must stay in-bounds
    fixed_landmarks = jax.random.uniform(k1, (N_LM, 3), dtype=jnp.float32, minval=0.0, maxval=190.0)
    moving_landmarks = jax.random.uniform(k2, (N_LM, 3), dtype=jnp.float32, minval=0.0, maxval=190.0)
    displacement_field = jax.random.normal(k3, (1, 3, D, H, W), dtype=jnp.float32)
    fixed_spacing = jax.random.uniform(k4, (3,), dtype=jnp.float32, minval=0.5, maxval=2.0)
    moving_spacing = jax.random.uniform(k5, (3,), dtype=jnp.float32, minval=0.5, maxval=2.0)
    return {
        "fixed_landmarks": fixed_landmarks,
        "moving_landmarks": moving_landmarks,
        "displacement_field": displacement_field,
        "fixed_spacing": fixed_spacing,
        "moving_spacing": moving_spacing,
    }


def reference(fixed_landmarks, moving_landmarks, displacement_field, fixed_spacing, moving_spacing):
    fcoords = jnp.floor(moving_landmarks).astype(jnp.int32)
    ccoords = jnp.ceil(moving_landmarks).astype(jnp.int32)
    # gather per-landmark displacement vectors at floor and ceil voxels -> [B, 3, N]
    f_disp = displacement_field[:, :, fcoords[:, 0], fcoords[:, 1], fcoords[:, 2]]
    c_disp = displacement_field[:, :, ccoords[:, 0], ccoords[:, 1], ccoords[:, 2]]
    disp = (f_disp + c_disp) / 2.0
    # einops 'b n N -> (b N) n' with b=1
    disp = jnp.transpose(disp, (0, 2, 1)).reshape(-1, 3)
    return (moving_landmarks + disp - fixed_landmarks) * moving_spacing

if __name__ == "__main__":
    import jax
    _d = setup_inputs()
    print(jax.jit(kernel)(*tuple(_d.values())))

</pallas_src>

<mosaic_0001>
#map = affine_map<(d0, d1) -> (0)>
module attributes {stable_mosaic.version = 14 : i64} {
  func.func @_trl_sc(%arg0: i32, %arg1: i32, %arg2: memref<15360xf32, #tpu.memory_space<hbm>>, %arg3: memref<15360xf32, #tpu.memory_space<hbm>>, %arg4: memref<21233664xf32, #tpu.memory_space<hbm>>, %arg5: memref<128xf32, #tpu.memory_space<hbm>>, %arg6: memref<15360xf32, #tpu.memory_space<hbm>>, %arg7: memref<480xf32, #tpu.memory_space<vmem>>, %arg8: memref<480xf32, #tpu.memory_space<vmem>>, %arg9: memref<480xf32, #tpu.memory_space<vmem>>, %arg10: memref<128xf32, #tpu.memory_space<vmem>>, %arg11: memref<960xi32, #tpu.memory_space<vmem>>, %arg12: memref<960xf32, #tpu.memory_space<vmem>>, %arg13: memref<480xf32, #tpu.memory_space<vmem>>, %arg14: memref<!tpu.dma_semaphore, #tpu.memory_space<semaphore_mem>>) attributes {dimension_semantics = [#tpu.dimension_semantics<core_parallel>, #tpu.dimension_semantics<subcore_parallel>], iteration_bounds = array<i64: 2, 16>, scalar_prefetch = 0 : i64, scratch_operands = 8 : i64, tpu.core_type = #tpu.core_type<sc_vector_subcore>, window_params = [{transform_indices = #map}, {transform_indices = #map}, {transform_indices = #map}, {transform_indices = #map}, {transform_indices = #map}]} {
    %mul3A = arith.constant 2 : i32
    %mul3A_0 = arith.muli %arg1, %mul3A : i32
    %add3A = arith.addi %mul3A_0, %arg0 : i32
    %mul3A_1 = arith.constant 3 : i32
    %mul3A_2 = arith.muli %add3A, %mul3A_1 : i32
    %mul3A_3 = arith.constant 160 : i32
    %mul3A_4 = arith.muli %mul3A_2, %mul3A_3 : i32
    %dma_start3A = tpu.memref_slice %arg3[%mul3A_4] : memref<15360xf32, #tpu.memory_space<hbm>> -> memref<480xf32, #tpu.memory_space<hbm>>
    %dma_start3A_5 = tpu.memref_slice %arg3[%mul3A_4] : memref<15360xf32, #tpu.memory_space<hbm>> -> memref<480xf32, #tpu.memory_space<hbm>>
    tpu.enqueue_dma source(%dma_start3A_5 : memref<480xf32, #tpu.memory_space<hbm>>) target(%arg7 : memref<480xf32, #tpu.memory_space<vmem>>) target_semaphore(%arg14 : memref<!tpu.dma_semaphore, #tpu.memory_space<semaphore_mem>>)
    %dma_start3A_6 = tpu.memref_slice %arg2[%mul3A_4] : memref<15360xf32, #tpu.memory_space<hbm>> -> memref<480xf32, #tpu.memory_space<hbm>>
    %dma_start3A_7 = tpu.memref_slice %arg2[%mul3A_4] : memref<15360xf32, #tpu.memory_space<hbm>> -> memref<480xf32, #tpu.memory_space<hbm>>
    tpu.enqueue_dma source(%dma_start3A_7 : memref<480xf32, #tpu.memory_space<hbm>>) target(%arg8 : memref<480xf32, #tpu.memory_space<vmem>>) target_semaphore(%arg14 : memref<!tpu.dma_semaphore, #tpu.memory_space<semaphore_mem>>)
    tpu.enqueue_dma source(%arg5 : memref<128xf32, #tpu.memory_space<hbm>>) target(%arg10 : memref<128xf32, #tpu.memory_space<vmem>>) target_semaphore(%arg14 : memref<!tpu.dma_semaphore, #tpu.memory_space<semaphore_mem>>)
    %dma_wait3A = tpu.memref_slice %arg3[%mul3A_4] : memref<15360xf32, #tpu.memory_space<hbm>> -> memref<480xf32, #tpu.memory_space<hbm>>
    %dma_wait3A_8 = tpu.memref_slice %arg3[%mul3A_4] : memref<15360xf32, #tpu.memory_space<hbm>> -> memref<480xf32, #tpu.memory_space<hbm>>
    tpu.wait_dma2 semaphore(%arg14 : memref<!tpu.dma_semaphore, #tpu.memory_space<semaphore_mem>>) src(%dma_wait3A_8 : memref<480xf32, #tpu.memory_space<hbm>>) dst(%arg7 : memref<480xf32, #tpu.memory_space<vmem>>)
    %dma_wait3A_9 = tpu.memref_slice %arg2[%mul3A_4] : memref<15360xf32, #tpu.memory_space<hbm>> -> memref<480xf32, #tpu.memory_space<hbm>>
    %dma_wait3A_10 = tpu.memref_slice %arg2[%mul3A_4] : memref<15360xf32, #tpu.memory_space<hbm>> -> memref<480xf32, #tpu.memory_space<hbm>>
    tpu.wait_dma2 semaphore(%arg14 : memref<!tpu.dma_semaphore, #tpu.memory_space<semaphore_mem>>) src(%dma_wait3A_10 : memref<480xf32, #tpu.memory_space<hbm>>) dst(%arg8 : memref<480xf32, #tpu.memory_space<vmem>>)
    tpu.wait_dma2 semaphore(%arg14 : memref<!tpu.dma_semaphore, #tpu.memory_space<semaphore_mem>>) src(%arg5 : memref<128xf32, #tpu.memory_space<hbm>>) dst(%arg10 : memref<128xf32, #tpu.memory_space<vmem>>)
    %iota3A = tpu.iota {dimensions = array<i32: 0>} : vector<16xi32>
    %mul3A_11 = arith.constant 3 : i32
    %mul3A_12 = vector.broadcast %mul3A_11 : i32 to vector<16xi32>
    %mul3A_13 = arith.muli %iota3A, %mul3A_12 : vector<16xi32>
    %add3A_14 = arith.constant 0 : i32
    %add3A_15 = vector.broadcast %add3A_14 : i32 to vector<16xi32>
    %add3A_16 = arith.addi %mul3A_13, %add3A_15 : vector<16xi32>
    %gather3A = tpu.vector_load_idx %arg7[%add3A_16] : memref<480xf32, #tpu.memory_space<vmem>>[vector<16xi32>], vector<16xf32>,
    %add3A_17 = arith.constant 1 : i32
    %add3A_18 = vector.broadcast %add3A_17 : i32 to vector<16xi32>
    %add3A_19 = arith.addi %add3A_16, %add3A_18 : vector<16xi32>
    %gather3A_20 = tpu.vector_load_idx %arg7[%add3A_19] : memref<480xf32, #tpu.memory_space<vmem>>[vector<16xi32>], vector<16xf32>,
    %add3A_21 = arith.constant 2 : i32
    %add3A_22 = vector.broadcast %add3A_21 : i32 to vector<16xi32>
    %add3A_23 = arith.addi %add3A_16, %add3A_22 : vector<16xi32>
    %gather3A_24 = tpu.vector_load_idx %arg7[%add3A_23] : memref<480xf32, #tpu.memory_space<vmem>>[vector<16xi32>], vector<16xf32>,
    %swap3A = arith.constant 0 : index
    %swap3A_25 = tpu.vector_load %arg9[%swap3A] {strides = array<i32>} : memref<480xf32, #tpu.memory_space<vmem>>, vector<16xf32>,
    tpu.vector_store %arg9[%swap3A], %gather3A {strides = array<i32>} : memref<480xf32, #tpu.memory_space<vmem>>, vector<16xf32>,
    %swap3A_26 = arith.constant 160 : index
    %swap3A_27 = tpu.vector_load %arg9[%swap3A_26] {strides = array<i32>} : memref<480xf32, #tpu.memory_space<vmem>>, vector<16xf32>,
    tpu.vector_store %arg9[%swap3A_26], %gather3A_20 {strides = array<i32>} : memref<480xf32, #tpu.memory_space<vmem>>, vector<16xf32>,
    %swap3A_28 = arith.constant 320 : index
    %swap3A_29 = tpu.vector_load %arg9[%swap3A_28] {strides = array<i32>} : memref<480xf32, #tpu.memory_space<vmem>>, vector<16xf32>,
    tpu.vector_store %arg9[%swap3A_28], %gather3A_24 {strides = array<i32>} : memref<480xf32, #tpu.memory_space<vmem>>, vector<16xf32>,
    %convert_element_type3A = arith.fptosi %gather3A : vector<16xf32> to vector<16xi32>
    %convert_element_type3A_30 = arith.fptosi %gather3A_20 : vector<16xf32> to vector<16xi32>
    %convert_element_type3A_31 = arith.fptosi %gather3A_24 : vector<16xf32> to vector<16xi32>
    %convert_element_type3A_32 = arith.sitofp %convert_element_type3A : vector<16xi32> to vector<16xf32>
    %gt3A = arith.cmpf ogt, %gather3A, %convert_element_type3A_32 : vector<16xf32>
    %add3A_33 = arith.constant 1 : i32
    %add3A_34 = vector.broadcast %add3A_33 : i32 to vector<16xi32>
    %add3A_35 = arith.addi %convert_element_type3A, %add3A_34 : vector<16xi32>
    %select_n3A = arith.select %gt3A, %add3A_35, %convert_element_type3A : vector<16xi1>, vector<16xi32>
    %convert_element_type3A_36 = arith.sitofp %convert_element_type3A_30 : vector<16xi32> to vector<16xf32>
    %gt3A_37 = arith.cmpf ogt, %gather3A_20, %convert_element_type3A_36 : vector<16xf32>
    %add3A_38 = arith.constant 1 : i32
    %add3A_39 = vector.broadcast %add3A_38 : i32 to vector<16xi32>
    %add3A_40 = arith.addi %convert_element_type3A_30, %add3A_39 : vector<16xi32>
    %select_n3A_41 = arith.select %gt3A_37, %add3A_40, %convert_element_type3A_30 : vector<16xi1>, vector<16xi32>
    %convert_element_type3A_42 = arith.sitofp %convert_element_type3A_31 : vector<16xi32> to vector<16xf32>
    %gt3A_43 = arith.cmpf ogt, %gather3A_24, %convert_element_type3A_42 : vector<16xf32>
    %add3A_44 = arith.constant 1 : i32
    %add3A_45 = vector.broadcast %add3A_44 : i32 to vector<16xi32>
    %add3A_46 = arith.addi %convert_element_type3A_31, %add3A_45 : vector<16xi32>
    %select_n3A_47 = arith.select %gt3A_43, %add3A_46, %convert_element_type3A_31 : vector<16xi1>, vector<16xi32>
    %mul3A_48 = arith.constant 36864 : i32
    %mul3A_49 = vector.broadcast %mul3A_48 : i32 to vector<16xi32>
    %mul3A_50 = arith.muli %convert_element_type3A, %mul3A_49 : vector<16xi32>
    %mul3A_51 = arith.constant 192 : i32
    %mul3A_52 = vector.broadcast %mul3A_51 : i32 to vector<16xi32>
    %mul3A_53 = arith.muli %convert_element_type3A_30, %mul3A_52 : vector<16xi32>
    %add3A_54 = arith.addi %mul3A_50, %mul3A_53 : vector<16xi32>
    %add3A_55 = arith.addi %add3A_54, %convert_element_type3A_31 : vector<16xi32>
    %mul3A_56 = arith.constant 36864 : i32
    %mul3A_57 = vector.broadcast %mul3A_56 : i32 to vector<16xi32>
    %mul3A_58 = arith.muli %select_n3A, %mul3A_57 : vector<16xi32>
    %mul3A_59 = arith.constant 192 : i32
    %mul3A_60 = vector.broadcast %mul3A_59 : i32 to vector<16xi32>
    %mul3A_61 = arith.muli %select_n3A_41, %mul3A_60 : vector<16xi32>
    %add3A_62 = arith.addi %mul3A_58, %mul3A_61 : vector<16xi32>
    %add3A_63 = arith.addi %add3A_62, %select_n3A_47 : vector<16xi32>
    %add3A_64 = arith.constant 0 : i32
    %add3A_65 = vector.broadcast %add3A_64 : i32 to vector<16xi32>
    %add3A_66 = arith.addi %add3A_55, %add3A_65 : vector<16xi32>
    %add3A_67 = arith.constant 0 : i32
    %add3A_68 = vector.broadcast %add3A_67 : i32 to vector<16xi32>
    %add3A_69 = arith.addi %add3A_63, %add3A_68 : vector<16xi32>
    %swap3A_70 = arith.constant 0 : index
    %swap3A_71 = tpu.vector_load %arg11[%swap3A_70] {strides = array<i32>} : memref<960xi32, #tpu.memory_space<vmem>>, vector<16xi32>,
    tpu.vector_store %arg11[%swap3A_70], %add3A_66 {strides = array<i32>} : memref<960xi32, #tpu.memory_space<vmem>>, vector<16xi32>,
    %swap3A_72 = arith.constant 240 : index
    %swap3A_73 = tpu.vector_load %arg11[%swap3A_72] {strides = array<i32>} : memref<960xi32, #tpu.memory_space<vmem>>, vector<16xi32>,
    tpu.vector_store %arg11[%swap3A_72], %add3A_69 {strides = array<i32>} : memref<960xi32, #tpu.memory_space<vmem>>, vector<16xi32>,
    %add3A_74 = arith.constant 7077888 : i32
    %add3A_75 = vector.broadcast %add3A_74 : i32 to vector<16xi32>
    %add3A_76 = arith.addi %add3A_55, %add3A_75 : vector<16xi32>
    %add3A_77 = arith.constant 7077888 : i32
    %add3A_78 = vector.broadcast %add3A_77 : i32 to vector<16xi32>
    %add3A_79 = arith.addi %add3A_63, %add3A_78 : vector<16xi32>
    %swap3A_80 = arith.constant 80 : index
    %swap3A_81 = tpu.vector_load %arg11[%swap3A_80] {strides = array<i32>} : memref<960xi32, #tpu.memory_space<vmem>>, vector<16xi32>,
    tpu.vector_store %arg11[%swap3A_80], %add3A_76 {strides = array<i32>} : memref<960xi32, #tpu.memory_space<vmem>>, vector<16xi32>,
    %swap3A_82 = arith.constant 320 : index
    %swap3A_83 = tpu.vector_load %arg11[%swap3A_82] {strides = array<i32>} : memref<960xi32, #tpu.memory_space<vmem>>, vector<16xi32>,
    tpu.vector_store %arg11[%swap3A_82], %add3A_79 {strides = array<i32>} : memref<960xi32, #tpu.memory_space<vmem>>, vector<16xi32>,
    %add3A_84 = arith.constant 14155776 : i32
    %add3A_85 = vector.broadcast %add3A_84 : i32 to vector<16xi32>
    %add3A_86 = arith.addi %add3A_55, %add3A_85 : vector<16xi32>
    %add3A_87 = arith.constant 14155776 : i32
    %add3A_88 = vector.broadcast %add3A_87 : i32 to vector<16xi32>
    %add3A_89 = arith.addi %add3A_63, %add3A_88 : vector<16xi32>
    %swap3A_90 = arith.constant 160 : index
    %swap3A_91 = tpu.vector_load %arg11[%swap3A_90] {strides = array<i32>} : memref<960xi32, #tpu.memory_space<vmem>>, vector<16xi32>,
    tpu.vector_store %arg11[%swap3A_90], %add3A_86 {strides = array<i32>} : memref<960xi32, #tpu.memory_space<vmem>>, vector<16xi32>,
    %swap3A_92 = arith.constant 400 : index
    %swap3A_93 = tpu.vector_load %arg11[%swap3A_92] {strides = array<i32>} : memref<960xi32, #tpu.memory_space<vmem>>, vector<16xi32>,
    tpu.vector_store %arg11[%swap3A_92], %add3A_89 {strides = array<i32>} : memref<960xi32, #tpu.memory_space<vmem>>, vector<16xi32>,
    %add3A_94 = arith.constant 48 : i32
    %add3A_95 = vector.broadcast %add3A_94 : i32 to vector<16xi32>
    %add3A_96 = arith.addi %mul3A_13, %add3A_95 : vector<16xi32>
    %gather3A_97 = tpu.vector_load_idx %arg7[%add3A_96] : memref<480xf32, #tpu.memory_space<vmem>>[vector<16xi32>], vector<16xf32>,
    %add3A_98 = arith.constant 1 : i32
    %add3A_99 = vector.broadcast %add3A_98 : i32 to vector<16xi32>
    %add3A_100 = arith.addi %add3A_96, %add3A_99 : vector<16xi32>
    %gather3A_101 = tpu.vector_load_idx %arg7[%add3A_100] : memref<480xf32, #tpu.memory_space<vmem>>[vector<16xi32>], vector<16xf32>,
    %add3A_102 = arith.constant 2 : i32
    %add3A_103 = vector.broadcast %add3A_102 : i32 to vector<16xi32>
    %add3A_104 = arith.addi %add3A_96, %add3A_103 : vector<16xi32>
    %gather3A_105 = tpu.vector_load_idx %arg7[%add3A_104] : memref<480xf32, #tpu.memory_space<vmem>>[vector<16xi32>], vector<16xf32>,
    %swap3A_106 = arith.constant 16 : index
    %swap3A_107 = tpu.vector_load %arg9[%swap3A_106] {strides = array<i32>} : memref<480xf32, #tpu.memory_space<vmem>>, vector<16xf32>,
    tpu.vector_store %arg9[%swap3A_106], %gather3A_97 {strides = array<i32>} : memref<480xf32, #tpu.memory_space<vmem>>, vector<16xf32>,
    %swap3A_108 = arith.constant 176 : index
    %swap3A_109 = tpu.vector_load %arg9[%swap3A_108] {strides = array<i32>} : memref<480xf32, #tpu.memory_space<vmem>>, vector<16xf32>,
    tpu.vector_store %arg9[%swap3A_108], %gather3A_101 {strides = array<i32>} : memref<480xf32, #tpu.memory_space<vmem>>, vector<16xf32>,
    %swap3A_110 = arith.constant 336 : index
    %swap3A_111 = tpu.vector_load %arg9[%swap3A_110] {strides = array<i32>} : memref<480xf32, #tpu.memory_space<vmem>>, vector<16xf32>,
    tpu.vector_store %arg9[%swap3A_110], %gather3A_105 {strides = array<i32>} : memref<480xf32, #tpu.memory_space<vmem>>, vector<16xf32>,
    %convert_element_type3A_112 = arith.fptosi %gather3A_97 : vector<16xf32> to vector<16xi32>
    %convert_element_type3A_113 = arith.fptosi %gather3A_101 : vector<16xf32> to vector<16xi32>
    %convert_element_type3A_114 = arith.fptosi %gather3A_105 : vector<16xf32> to vector<16xi32>
    %convert_element_type3A_115 = arith.sitofp %convert_element_type3A_112 : vector<16xi32> to vector<16xf32>
    %gt3A_116 = arith.cmpf ogt, %gather3A_97, %convert_element_type3A_115 : vector<16xf32>
    %add3A_117 = arith.constant 1 : i32
    %add3A_118 = vector.broadcast %add3A_117 : i32 to vector<16xi32>
    %add3A_119 = arith.addi %convert_element_type3A_112, %add3A_118 : vector<16xi32>
    %select_n3A_120 = arith.select %gt3A_116, %add3A_119, %convert_element_type3A_112 : vector<16xi1>, vector<16xi32>
    %convert_element_type3A_121 = arith.sitofp %convert_element_type3A_113 : vector<16xi32> to vector<16xf32>
    %gt3A_122 = arith.cmpf ogt, %gather3A_101, %convert_element_type3A_121 : vector<16xf32>
    %add3A_123 = arith.constant 1 : i32
    %add3A_124 = vector.broadcast %add3A_123 : i32 to vector<16xi32>
    %add3A_125 = arith.addi %convert_element_type3A_113, %add3A_124 : vector<16xi32>
    %select_n3A_126 = arith.select %gt3A_122, %add3A_125, %convert_element_type3A_113 : vector<16xi1>, vector<16xi32>
    %convert_element_type3A_127 = arith.sitofp %convert_element_type3A_114 : vector<16xi32> to vector<16xf32>
    %gt3A_128 = arith.cmpf ogt, %gather3A_105, %convert_element_type3A_127 : vector<16xf32>
    %add3A_129 = arith.constant 1 : i32
    %add3A_130 = vector.broadcast %add3A_129 : i32 to vector<16xi32>
    %add3A_131 = arith.addi %convert_element_type3A_114, %add3A_130 : vector<16xi32>
    %select_n3A_132 = arith.select %gt3A_128, %add3A_131, %convert_element_type3A_114 : vector<16xi1>, vector<16xi32>
    %mul3A_133 = arith.constant 36864 : i32
    %mul3A_134 = vector.broadcast %mul3A_133 : i32 to vector<16xi32>
    %mul3A_135 = arith.muli %convert_element_type3A_112, %mul3A_134 : vector<16xi32>
    %mul3A_136 = arith.constant 192 : i32
    %mul3A_137 = vector.broadcast %mul3A_136 : i32 to vector<16xi32>
    %mul3A_138 = arith.muli %convert_element_type3A_113, %mul3A_137 : vector<16xi32>
    %add3A_139 = arith.addi %mul3A_135, %mul3A_138 : vector<16xi32>
    %add3A_140 = arith.addi %add3A_139, %convert_element_type3A_114 : vector<16xi32>
    %mul3A_141 = arith.constant 36864 : i32
    %mul3A_142 = vector.broadcast %mul3A_141 : i32 to vector<16xi32>
    %mul3A_143 = arith.muli %select_n3A_120, %mul3A_142 : vector<16xi32>
    %mul3A_144 = arith.constant 192 : i32
    %mul3A_145 = vector.broadcast %mul3A_144 : i32 to vector<16xi32>
    %mul3A_146 = arith.muli %select_n3A_126, %mul3A_145 : vector<16xi32>
    %add3A_147 = arith.addi %mul3A_143, %mul3A_146 : vector<16xi32>
    %add3A_148 = arith.addi %add3A_147, %select_n3A_132 : vector<16xi32>
    %add3A_149 = arith.constant 0 : i32
    %add3A_150 = vector.broadcast %add3A_149 : i32 to vector<16xi32>
    %add3A_151 = arith.addi %add3A_140, %add3A_150 : vector<16xi32>
    %add3A_152 = arith.constant 0 : i32
    %add3A_153 = vector.broadcast %add3A_152 : i32 to vector<16xi32>
    %add3A_154 = arith.addi %add3A_148, %add3A_153 : vector<16xi32>
    %swap3A_155 = arith.constant 16 : index
    %swap3A_156 = tpu.vector_load %arg11[%swap3A_155] {strides = array<i32>} : memref<960xi32, #tpu.memory_space<vmem>>, vector<16xi32>,
    tpu.vector_store %arg11[%swap3A_155], %add3A_151 {strides = array<i32>} : memref<960xi32, #tpu.memory_space<vmem>>, vector<16xi32>,
    %swap3A_157 = arith.constant 256 : index
    %swap3A_158 = tpu.vector_load %arg11[%swap3A_157] {strides = array<i32>} : memref<960xi32, #tpu.memory_space<vmem>>, vector<16xi32>,
    tpu.vector_store %arg11[%swap3A_157], %add3A_154 {strides = array<i32>} : memref<960xi32, #tpu.memory_space<vmem>>, vector<16xi32>,
    %add3A_159 = arith.constant 7077888 : i32
    %add3A_160 = vector.broadcast %add3A_159 : i32 to vector<16xi32>
    %add3A_161 = arith.addi %add3A_140, %add3A_160 : vector<16xi32>
    %add3A_162 = arith.constant 7077888 : i32
    %add3A_163 = vector.broadcast %add3A_162 : i32 to vector<16xi32>
    %add3A_164 = arith.addi %add3A_148, %add3A_163 : vector<16xi32>
    %swap3A_165 = arith.constant 96 : index
    %swap3A_166 = tpu.vector_load %arg11[%swap3A_165] {strides = array<i32>} : memref<960xi32, #tpu.memory_space<vmem>>, vector<16xi32>,
    tpu.vector_store %arg11[%swap3A_165], %add3A_161 {strides = array<i32>} : memref<960xi32, #tpu.memory_space<vmem>>, vector<16xi32>,
    %swap3A_167 = arith.constant 336 : index
    %swap3A_168 = tpu.vector_load %arg11[%swap3A_167] {strides = array<i32>} : memref<960xi32, #tpu.memory_space<vmem>>, vector<16xi32>,
    tpu.vector_store %arg11[%swap3A_167], %add3A_164 {strides = array<i32>} : memref<960xi32, #tpu.memory_space<vmem>>, vector<16xi32>,
    %add3A_169 = arith.constant 14155776 : i32
    %add3A_170 = vector.broadcast %add3A_169 : i32 to vector<16xi32>
    %add3A_171 = arith.addi %add3A_140, %add3A_170 : vector<16xi32>
    %add3A_172 = arith.constant 14155776 : i32
    %add3A_173 = vector.broadcast %add3A_172 : i32 to vector<16xi32>
    %add3A_174 = arith.addi %add3A_148, %add3A_173 : vector<16xi32>
    %swap3A_175 = arith.constant 176 : index
    %swap3A_176 = tpu.vector_load %arg11[%swap3A_175] {strides = array<i32>} : memref<960xi32, #tpu.memory_space<vmem>>, vector<16xi32>,
    tpu.vector_store %arg11[%swap3A_175], %add3A_171 {strides = array<i32>} : memref<960xi32, #tpu.memory_space<vmem>>, vector<16xi32>,
    %swap3A_177 = arith.constant 416 : index
    %swap3A_178 = tpu.vector_load %arg11[%swap3A_177] {strides = array<i32>} : memref<960xi32, #tpu.memory_space<vmem>>, vector<16xi32>,
    tpu.vector_store %arg11[%swap3A_177], %add3A_174 {strides = array<i32>} : memref<960xi32, #tpu.memory_space<vmem>>, vector<16xi32>,
    %add3A_179 = arith.constant 96 : i32
    %add3A_180 = vector.broadcast %add3A_179 : i32 to vector<16xi32>
    %add3A_181 = arith.addi %mul3A_13, %add3A_180 : vector<16xi32>
    %gather3A_182 = tpu.vector_load_idx %arg7[%add3A_181] : memref<480xf32, #tpu.memory_space<vmem>>[vector<16xi32>], vector<16xf32>,
    %add3A_183 = arith.constant 1 : i32
    %add3A_184 = vector.broadcast %add3A_183 : i32 to vector<16xi32>
    %add3A_185 = arith.addi %add3A_181, %add3A_184 : vector<16xi32>
    %gather3A_186 = tpu.vector_load_idx %arg7[%add3A_185] : memref<480xf32, #tpu.memory_space<vmem>>[vector<16xi32>], vector<16xf32>,
    %add3A_187 = arith.constant 2 : i32
    %add3A_188 = vector.broadcast %add3A_187 : i32 to vector<16xi32>
    %add3A_189 = arith.addi %add3A_181, %add3A_188 : vector<16xi32>
    %gather3A_190 = tpu.vector_load_idx %arg7[%add3A_189] : memref<480xf32, #tpu.memory_space<vmem>>[vector<16xi32>], vector<16xf32>,
    %swap3A_191 = arith.constant 32 : index
    %swap3A_192 = tpu.vector_load %arg9[%swap3A_191] {strides = array<i32>} : memref<480xf32, #tpu.memory_space<vmem>>, vector<16xf32>,
    tpu.vector_store %arg9[%swap3A_191], %gather3A_182 {strides = array<i32>} : memref<480xf32, #tpu.memory_space<vmem>>, vector<16xf32>,
    %swap3A_193 = arith.constant 192 : index
    %swap3A_194 = tpu.vector_load %arg9[%swap3A_193] {strides = array<i32>} : memref<480xf32, #tpu.memory_space<vmem>>, vector<16xf32>,
    tpu.vector_store %arg9[%swap3A_193], %gather3A_186 {strides = array<i32>} : memref<480xf32, #tpu.memory_space<vmem>>, vector<16xf32>,
    %swap3A_195 = arith.constant 352 : index
    %swap3A_196 = tpu.vector_load %arg9[%swap3A_195] {strides = array<i32>} : memref<480xf32, #tpu.memory_space<vmem>>, vector<16xf32>,
    tpu.vector_store %arg9[%swap3A_195], %gather3A_190 {strides = array<i32>} : memref<480xf32, #tpu.memory_space<vmem>>, vector<16xf32>,
    %convert_element_type3A_197 = arith.fptosi %gather3A_182 : vector<16xf32> to vector<16xi32>
    %convert_element_type3A_198 = arith.fptosi %gather3A_186 : vector<16xf32> to vector<16xi32>
    %convert_element_type3A_199 = arith.fptosi %gather3A_190 : vector<16xf32> to vector<16xi32>
    %convert_element_type3A_200 = arith.sitofp %convert_element_type3A_197 : vector<16xi32> to vector<16xf32>
    %gt3A_201 = arith.cmpf ogt, %gather3A_182, %convert_element_type3A_200 : vector<16xf32>
    %add3A_202 = arith.constant 1 : i32
    %add3A_203 = vector.broadcast %add3A_202 : i32 to vector<16xi32>
    %add3A_204 = arith.addi %convert_element_type3A_197, %add3A_203 : vector<16xi32>
    %select_n3A_205 = arith.select %gt3A_201, %add3A_204, %convert_element_type3A_197 : vector<16xi1>, vector<16xi32>
    %convert_element_type3A_206 = arith.sitofp %convert_element_type3A_198 : vector<16xi32> to vector<16xf32>
    %gt3A_207 = arith.cmpf ogt, %gather3A_186, %convert_element_type3A_206 : vector<16xf32>
    %add3A_208 = arith.constant 1 : i32
    %add3A_209 = vector.broadcast %add3A_208 : i32 to vector<16xi32>
    %add3A_210 = arith.addi %convert_element_type3A_198, %add3A_209 : vector<16xi32>
    %select_n3A_211 = arith.select %gt3A_207, %add3A_210, %convert_element_type3A_198 : vector<16xi1>, vector<16xi32>
    %convert_element_type3A_212 = arith.sitofp %convert_element_type3A_199 : vector<16xi32> to vector<16xf32>
    %gt3A_213 = arith.cmpf ogt, %gather3A_190, %convert_element_type3A_212 : vector<16xf32>
    %add3A_214 = arith.constant 1 : i32
    %add3A_215 = vector.broadcast %add3A_214 : i32 to vector<16xi32>
    %add3A_216 = arith.addi %convert_element_type3A_199, %add3A_215 : vector<16xi32>
    %select_n3A_217 = arith.select %gt3A_213, %add3A_216, %convert_element_type3A_199 : vector<16xi1>, vector<16xi32>
    %mul3A_218 = arith.constant 36864 : i32
    %mul3A_219 = vector.broadcast %mul3A_218 : i32 to vector<16xi32>
    %mul3A_220 = arith.muli %convert_element_type3A_197, %mul3A_219 : vector<16xi32>
    %mul3A_221 = arith.constant 192 : i32
    %mul3A_222 = vector.broadcast %mul3A_221 : i32 to vector<16xi32>
    %mul3A_223 = arith.muli %convert_element_type3A_198, %mul3A_222 : vector<16xi32>
    %add3A_224 = arith.addi %mul3A_220, %mul3A_223 : vector<16xi32>
    %add3A_225 = arith.addi %add3A_224, %convert_element_type3A_199 : vector<16xi32>
    %mul3A_226 = arith.constant 36864 : i32
    %mul3A_227 = vector.broadcast %mul3A_226 : i32 to vector<16xi32>
    %mul3A_228 = arith.muli %select_n3A_205, %mul3A_227 : vector<16xi32>
    %mul3A_229 = arith.constant 192 : i32
    %mul3A_230 = vector.broadcast %mul3A_229 : i32 to vector<16xi32>
    %mul3A_231 = arith.muli %select_n3A_211, %mul3A_230 : vector<16xi32>
    %add3A_232 = arith.addi %mul3A_228, %mul3A_231 : vector<16xi32>
    %add3A_233 = arith.addi %add3A_232, %select_n3A_217 : vector<16xi32>
    %add3A_234 = arith.constant 0 : i32
    %add3A_235 = vector.broadcast %add3A_234 : i32 to vector<16xi32>
    %add3A_236 = arith.addi %add3A_225, %add3A_235 : vector<16xi32>
    %add3A_237 = arith.constant 0 : i32
    %add3A_238 = vector.broadcast %add3A_237 : i32 to vector<16xi32>
    %add3A_239 = arith.addi %add3A_233, %add3A_238 : vector<16xi32>
    %swap3A_240 = arith.constant 32 : index
    %swap3A_241 = tpu.vector_load %arg11[%swap3A_240] {strides = array<i32>} : memref<960xi32, #tpu.memory_space<vmem>>, vector<16xi32>,
    tpu.vector_store %arg11[%swap3A_240], %add3A_236 {strides = array<i32>} : memref<960xi32, #tpu.memory_space<vmem>>, vector<16xi32>,
    %swap3A_242 = arith.constant 272 : index
    %swap3A_243 = tpu.vector_load %arg11[%swap3A_242] {strides = array<i32>} : memref<960xi32, #tpu.memory_space<vmem>>, vector<16xi32>,
    tpu.vector_store %arg11[%swap3A_242], %add3A_239 {strides = array<i32>} : memref<960xi32, #tpu.memory_space<vmem>>, vector<16xi32>,
    %add3A_244 = arith.constant 7077888 : i32
    %add3A_245 = vector.broadcast %add3A_244 : i32 to vector<16xi32>
    %add3A_246 = arith.addi %add3A_225, %add3A_245 : vector<16xi32>
    %add3A_247 = arith.constant 7077888 : i32
    %add3A_248 = vector.broadcast %add3A_247 : i32 to vector<16xi32>
    %add3A_249 = arith.addi %add3A_233, %add3A_248 : vector<16xi32>
    %swap3A_250 = arith.constant 112 : index
    %swap3A_251 = tpu.vector_load %arg11[%swap3A_250] {strides = array<i32>} : memref<960xi32, #tpu.memory_space<vmem>>, vector<16xi32>,
    tpu.vector_store %arg11[%swap3A_250], %add3A_246 {strides = array<i32>} : memref<960xi32, #tpu.memory_space<vmem>>, vector<16xi32>,
    %swap3A_252 = arith.constant 352 : index
    %swap3A_253 = tpu.vector_load %arg11[%swap3A_252] {strides = array<i32>} : memref<960xi32, #tpu.memory_space<vmem>>, vector<16xi32>,
    tpu.vector_store %arg11[%swap3A_252], %add3A_249 {strides = array<i32>} : memref<960xi32, #tpu.memory_space<vmem>>, vector<16xi32>,
    %add3A_254 = arith.constant 14155776 : i32
    %add3A_255 = vector.broadcast %add3A_254 : i32 to vector<16xi32>
    %add3A_256 = arith.addi %add3A_225, %add3A_255 : vector<16xi32>
    %add3A_257 = arith.constant 14155776 : i32
    %add3A_258 = vector.broadcast %add3A_257 : i32 to vector<16xi32>
    %add3A_259 = arith.addi %add3A_233, %add3A_258 : vector<16xi32>
    %swap3A_260 = arith.constant 192 : index
    %swap3A_261 = tpu.vector_load %arg11[%swap3A_260] {strides = array<i32>} : memref<960xi32, #tpu.memory_space<vmem>>, vector<16xi32>,
    tpu.vector_store %arg11[%swap3A_260], %add3A_256 {strides = array<i32>} : memref<960xi32, #tpu.memory_space<vmem>>, vector<16xi32>,
    %swap3A_262 = arith.constant 432 : index
    %swap3A_263 = tpu.vector_load %arg11[%swap3A_262] {strides = array<i32>} : memref<960xi32, #tpu.memory_space<vmem>>, vector<16xi32>,
    tpu.vector_store %arg11[%swap3A_262], %add3A_259 {strides = array<i32>} : memref<960xi32, #tpu.memory_space<vmem>>, vector<16xi32>,
    %add3A_264 = arith.constant 144 : i32
    %add3A_265 = vector.broadcast %add3A_264 : i32 to vector<16xi32>
    %add3A_266 = arith.addi %mul3A_13, %add3A_265 : vector<16xi32>
    %gather3A_267 = tpu.vector_load_idx %arg7[%add3A_266] : memref<480xf32, #tpu.memory_space<vmem>>[vector<16xi32>], vector<16xf32>,
    %add3A_268 = arith.constant 1 : i32
    %add3A_269 = vector.broadcast %add3A_268 : i32 to vector<16xi32>
    %add3A_270 = arith.addi %add3A_266, %add3A_269 : vector<16xi32>
    %gather3A_271 = tpu.vector_load_idx %arg7[%add3A_270] : memref<480xf32, #tpu.memory_space<vmem>>[vector<16xi32>], vector<16xf32>,
    %add3A_272 = arith.constant 2 : i32
    %add3A_273 = vector.broadcast %add3A_272 : i32 to vector<16xi32>
    %add3A_274 = arith.addi %add3A_266, %add3A_273 : vector<16xi32>
    %gather3A_275 = tpu.vector_load_idx %arg7[%add3A_274] : memref<480xf32, #tpu.memory_space<vmem>>[vector<16xi32>], vector<16xf32>,
    %swap3A_276 = arith.constant 48 : index
    %swap3A_277 = tpu.vector_load %arg9[%swap3A_276] {strides = array<i32>} : memref<480xf32, #tpu.memory_space<vmem>>, vector<16xf32>,
    tpu.vector_store %arg9[%swap3A_276], %gather3A_267 {strides = array<i32>} : memref<480xf32, #tpu.memory_space<vmem>>, vector<16xf32>,
    %swap3A_278 = arith.constant 208 : index
    %swap3A_279 = tpu.vector_load %arg9[%swap3A_278] {strides = array<i32>} : memref<480xf32, #tpu.memory_space<vmem>>, vector<16xf32>,
    tpu.vector_store %arg9[%swap3A_278], %gather3A_271 {strides = array<i32>} : memref<480xf32, #tpu.memory_space<vmem>>, vector<16xf32>,
    %swap3A_280 = arith.constant 368 : index
    %swap3A_281 = tpu.vector_load %arg9[%swap3A_280] {strides = array<i32>} : memref<480xf32, #tpu.memory_space<vmem>>, vector<16xf32>,
    tpu.vector_store %arg9[%swap3A_280], %gather3A_275 {strides = array<i32>} : memref<480xf32, #tpu.memory_space<vmem>>, vector<16xf32>,
    %convert_element_type3A_282 = arith.fptosi %gather3A_267 : vector<16xf32> to vector<16xi32>
    %convert_element_type3A_283 = arith.fptosi %gather3A_271 : vector<16xf32> to vector<16xi32>
    %convert_element_type3A_284 = arith.fptosi %gather3A_275 : vector<16xf32> to vector<16xi32>
    %convert_element_type3A_285 = arith.sitofp %convert_element_type3A_282 : vector<16xi32> to vector<16xf32>
    %gt3A_286 = arith.cmpf ogt, %gather3A_267, %convert_element_type3A_285 : vector<16xf32>
    %add3A_287 = arith.constant 1 : i32
    %add3A_288 = vector.broadcast %add3A_287 : i32 to vector<16xi32>
    %add3A_289 = arith.addi %convert_element_type3A_282, %add3A_288 : vector<16xi32>
    %select_n3A_290 = arith.select %gt3A_286, %add3A_289, %convert_element_type3A_282 : vector<16xi1>, vector<16xi32>
    %convert_element_type3A_291 = arith.sitofp %convert_element_type3A_283 : vector<16xi32> to vector<16xf32>
    %gt3A_292 = arith.cmpf ogt, %gather3A_271, %convert_element_type3A_291 : vector<16xf32>
    %add3A_293 = arith.constant 1 : i32
    %add3A_294 = vector.broadcast %add3A_293 : i32 to vector<16xi32>
    %add3A_295 = arith.addi %convert_element_type3A_283, %add3A_294 : vector<16xi32>
    %select_n3A_296 = arith.select %gt3A_292, %add3A_295, %convert_element_type3A_283 : vector<16xi1>, vector<16xi32>
    %convert_element_type3A_297 = arith.sitofp %convert_element_type3A_284 : vector<16xi32> to vector<16xf32>
    %gt3A_298 = arith.cmpf ogt, %gather3A_275, %convert_element_type3A_297 : vector<16xf32>
    %add3A_299 = arith.constant 1 : i32
    %add3A_300 = vector.broadcast %add3A_299 : i32 to vector<16xi32>
    %add3A_301 = arith.addi %convert_element_type3A_284, %add3A_300 : vector<16xi32>
    %select_n3A_302 = arith.select %gt3A_298, %add3A_301, %convert_element_type3A_284 : vector<16xi1>, vector<16xi32>
    %mul3A_303 = arith.constant 36864 : i32
    %mul3A_304 = vector.broadcast %mul3A_303 : i32 to vector<16xi32>
    %mul3A_305 = arith.muli %convert_element_type3A_282, %mul3A_304 : vector<16xi32>
    %mul3A_306 = arith.constant 192 : i32
    %mul3A_307 = vector.broadcast %mul3A_306 : i32 to vector<16xi32>
    %mul3A_308 = arith.muli %convert_element_type3A_283, %mul3A_307 : vector<16xi32>
    %add3A_309 = arith.addi %mul3A_305, %mul3A_308 : vector<16xi32>
    %add3A_310 = arith.addi %add3A_309, %convert_element_type3A_284 : vector<16xi32>
    %mul3A_311 = arith.constant 36864 : i32
    %mul3A_312 = vector.broadcast %mul3A_311 : i32 to vector<16xi32>
    %mul3A_313 = arith.muli %select_n3A_290, %mul3A_312 : vector<16xi32>
    %mul3A_314 = arith.constant 192 : i32
    %mul3A_315 = vector.broadcast %mul3A_314 : i32 to vector<16xi32>
    %mul3A_316 = arith.muli %select_n3A_296, %mul3A_315 : vector<16xi32>
    %add3A_317 = arith.addi %mul3A_313, %mul3A_316 : vector<16xi32>
    %add3A_318 = arith.addi %add3A_317, %select_n3A_302 : vector<16xi32>
    %add3A_319 = arith.constant 0 : i32
    %add3A_320 = vector.broadcast %add3A_319 : i32 to vector<16xi32>
    %add3A_321 = arith.addi %add3A_310, %add3A_320 : vector<16xi32>
    %add3A_322 = arith.constant 0 : i32
    %add3A_323 = vector.broadcast %add3A_322 : i32 to vector<16xi32>
    %add3A_324 = arith.addi %add3A_318, %add3A_323 : vector<16xi32>
    %swap3A_325 = arith.constant 48 : index
    %swap3A_326 = tpu.vector_load %arg11[%swap3A_325] {strides = array<i32>} : memref<960xi32, #tpu.memory_space<vmem>>, vector<16xi32>,
    tpu.vector_store %arg11[%swap3A_325], %add3A_321 {strides = array<i32>} : memref<960xi32, #tpu.memory_space<vmem>>, vector<16xi32>,
    %swap3A_327 = arith.constant 288 : index
    %swap3A_328 = tpu.vector_load %arg11[%swap3A_327] {strides = array<i32>} : memref<960xi32, #tpu.memory_space<vmem>>, vector<16xi32>,
    tpu.vector_store %arg11[%swap3A_327], %add3A_324 {strides = array<i32>} : memref<960xi32, #tpu.memory_space<vmem>>, vector<16xi32>,
    %add3A_329 = arith.constant 7077888 : i32
    %add3A_330 = vector.broadcast %add3A_329 : i32 to vector<16xi32>
    %add3A_331 = arith.addi %add3A_310, %add3A_330 : vector<16xi32>
    %add3A_332 = arith.constant 7077888 : i32
    %add3A_333 = vector.broadcast %add3A_332 : i32 to vector<16xi32>
    %add3A_334 = arith.addi %add3A_318, %add3A_333 : vector<16xi32>
    %swap3A_335 = arith.constant 128 : index
    %swap3A_336 = tpu.vector_load %arg11[%swap3A_335] {strides = array<i32>} : memref<960xi32, #tpu.memory_space<vmem>>, vector<16xi32>,
    tpu.vector_store %arg11[%swap3A_335], %add3A_331 {strides = array<i32>} : memref<960xi32, #tpu.memory_space<vmem>>, vector<16xi32>,
    %swap3A_337 = arith.constant 368 : index
    %swap3A_338 = tpu.vector_load %arg11[%swap3A_337] {strides = array<i32>} : memref<960xi32, #tpu.memory_space<vmem>>, vector<16xi32>,
    tpu.vector_store %arg11[%swap3A_337], %add3A_334 {strides = array<i32>} : memref<960xi32, #tpu.memory_space<vmem>>, vector<16xi32>,
    %add3A_339 = arith.constant 14155776 : i32
    %add3A_340 = vector.broadcast %add3A_339 : i32 to vector<16xi32>
    %add3A_341 = arith.addi %add3A_310, %add3A_340 : vector<16xi32>
    %add3A_342 = arith.constant 14155776 : i32
    %add3A_343 = vector.broadcast %add3A_342 : i32 to vector<16xi32>
    %add3A_344 = arith.addi %add3A_318, %add3A_343 : vector<16xi32>
    %swap3A_345 = arith.constant 208 : index
    %swap3A_346 = tpu.vector_load %arg11[%swap3A_345] {strides = array<i32>} : memref<960xi32, #tpu.memory_space<vmem>>, vector<16xi32>,
    tpu.vector_store %arg11[%swap3A_345], %add3A_341 {strides = array<i32>} : memref<960xi32, #tpu.memory_space<vmem>>, vector<16xi32>,
    %swap3A_347 = arith.constant 448 : index
    %swap3A_348 = tpu.vector_load %arg11[%swap3A_347] {strides = array<i32>} : memref<960xi32, #tpu.memory_space<vmem>>, vector<16xi32>,
    tpu.vector_store %arg11[%swap3A_347], %add3A_344 {strides = array<i32>} : memref<960xi32, #tpu.memory_space<vmem>>, vector<16xi32>,
    %add3A_349 = arith.constant 192 : i32
    %add3A_350 = vector.broadcast %add3A_349 : i32 to vector<16xi32>
    %add3A_351 = arith.addi %mul3A_13, %add3A_350 : vector<16xi32>
    %gather3A_352 = tpu.vector_load_idx %arg7[%add3A_351] : memref<480xf32, #tpu.memory_space<vmem>>[vector<16xi32>], vector<16xf32>,
    %add3A_353 = arith.constant 1 : i32
    %add3A_354 = vector.broadcast %add3A_353 : i32 to vector<16xi32>
    %add3A_355 = arith.addi %add3A_351, %add3A_354 : vector<16xi32>
    %gather3A_356 = tpu.vector_load_idx %arg7[%add3A_355] : memref<480xf32, #tpu.memory_space<vmem>>[vector<16xi32>], vector<16xf32>,
    %add3A_357 = arith.constant 2 : i32
    %add3A_358 = vector.broadcast %add3A_357 : i32 to vector<16xi32>
    %add3A_359 = arith.addi %add3A_351, %add3A_358 : vector<16xi32>
    %gather3A_360 = tpu.vector_load_idx %arg7[%add3A_359] : memref<480xf32, #tpu.memory_space<vmem>>[vector<16xi32>], vector<16xf32>,
    %swap3A_361 = arith.constant 64 : index
    %swap3A_362 = tpu.vector_load %arg9[%swap3A_361] {strides = array<i32>} : memref<480xf32, #tpu.memory_space<vmem>>, vector<16xf32>,
    tpu.vector_store %arg9[%swap3A_361], %gather3A_352 {strides = array<i32>} : memref<480xf32, #tpu.memory_space<vmem>>, vector<16xf32>,
    %swap3A_363 = arith.constant 224 : index
    %swap3A_364 = tpu.vector_load %arg9[%swap3A_363] {strides = array<i32>} : memref<480xf32, #tpu.memory_space<vmem>>, vector<16xf32>,
    tpu.vector_store %arg9[%swap3A_363], %gather3A_356 {strides = array<i32>} : memref<480xf32, #tpu.memory_space<vmem>>, vector<16xf32>,
    %swap3A_365 = arith.constant 384 : index
    %swap3A_366 = tpu.vector_load %arg9[%swap3A_365] {strides = array<i32>} : memref<480xf32, #tpu.memory_space<vmem>>, vector<16xf32>,
    tpu.vector_store %arg9[%swap3A_365], %gather3A_360 {strides = array<i32>} : memref<480xf32, #tpu.memory_space<vmem>>, vector<16xf32>,
    %convert_element_type3A_367 = arith.fptosi %gather3A_352 : vector<16xf32> to vector<16xi32>
    %convert_element_type3A_368 = arith.fptosi %gather3A_356 : vector<16xf32> to vector<16xi32>
    %convert_element_type3A_369 = arith.fptosi %gather3A_360 : vector<16xf32> to vector<16xi32>
    %convert_element_type3A_370 = arith.sitofp %convert_element_type3A_367 : vector<16xi32> to vector<16xf32>
    %gt3A_371 = arith.cmpf ogt, %gather3A_352, %convert_element_type3A_370 : vector<16xf32>
    %add3A_372 = arith.constant 1 : i32
    %add3A_373 = vector.broadcast %add3A_372 : i32 to vector<16xi32>
    %add3A_374 = arith.addi %convert_element_type3A_367, %add3A_373 : vector<16xi32>
    %select_n3A_375 = arith.select %gt3A_371, %add3A_374, %convert_element_type3A_367 : vector<16xi1>, vector<16xi32>
    %convert_element_type3A_376 = arith.sitofp %convert_element_type3A_368 : vector<16xi32> to vector<16xf32>
    %gt3A_377 = arith.cmpf ogt, %gather3A_356, %convert_element_type3A_376 : vector<16xf32>
    %add3A_378 = arith.constant 1 : i32
    %add3A_379 = vector.broadcast %add3A_378 : i32 to vector<16xi32>
    %add3A_380 = arith.addi %convert_element_type3A_368, %add3A_379 : vector<16xi32>
    %select_n3A_381 = arith.select %gt3A_377, %add3A_380, %convert_element_type3A_368 : vector<16xi1>, vector<16xi32>
    %convert_element_type3A_382 = arith.sitofp %convert_element_type3A_369 : vector<16xi32> to vector<16xf32>
    %gt3A_383 = arith.cmpf ogt, %gather3A_360, %convert_element_type3A_382 : vector<16xf32>
    %add3A_384 = arith.constant 1 : i32
    %add3A_385 = vector.broadcast %add3A_384 : i32 to vector<16xi32>
    %add3A_386 = arith.addi %convert_element_type3A_369, %add3A_385 : vector<16xi32>
    %select_n3A_387 = arith.select %gt3A_383, %add3A_386, %convert_element_type3A_369 : vector<16xi1>, vector<16xi32>
    %mul3A_388 = arith.constant 36864 : i32
    %mul3A_389 = vector.broadcast %mul3A_388 : i32 to vector<16xi32>
    %mul3A_390 = arith.muli %convert_element_type3A_367, %mul3A_389 : vector<16xi32>
    %mul3A_391 = arith.constant 192 : i32
    %mul3A_392 = vector.broadcast %mul3A_391 : i32 to vector<16xi32>
    %mul3A_393 = arith.muli %convert_element_type3A_368, %mul3A_392 : vector<16xi32>
    %add3A_394 = arith.addi %mul3A_390, %mul3A_393 : vector<16xi32>
    %add3A_395 = arith.addi %add3A_394, %convert_element_type3A_369 : vector<16xi32>
    %mul3A_396 = arith.constant 36864 : i32
    %mul3A_397 = vector.broadcast %mul3A_396 : i32 to vector<16xi32>
    %mul3A_398 = arith.muli %select_n3A_375, %mul3A_397 : vector<16xi32>
    %mul3A_399 = arith.constant 192 : i32
    %mul3A_400 = vector.broadcast %mul3A_399 : i32 to vector<16xi32>
    %mul3A_401 = arith.muli %select_n3A_381, %mul3A_400 : vector<16xi32>
    %add3A_402 = arith.addi %mul3A_398, %mul3A_401 : vector<16xi32>
    %add3A_403 = arith.addi %add3A_402, %select_n3A_387 : vector<16xi32>
    %add3A_404 = arith.constant 0 : i32
    %add3A_405 = vector.broadcast %add3A_404 : i32 to vector<16xi32>
    %add3A_406 = arith.addi %add3A_395, %add3A_405 : vector<16xi32>
    %add3A_407 = arith.constant 0 : i32
    %add3A_408 = vector.broadcast %add3A_407 : i32 to vector<16xi32>
    %add3A_409 = arith.addi %add3A_403, %add3A_408 : vector<16xi32>
    %swap3A_410 = arith.constant 64 : index
    %swap3A_411 = tpu.vector_load %arg11[%swap3A_410] {strides = array<i32>} : memref<960xi32, #tpu.memory_space<vmem>>, vector<16xi32>,
    tpu.vector_store %arg11[%swap3A_410], %add3A_406 {strides = array<i32>} : memref<960xi32, #tpu.memory_space<vmem>>, vector<16xi32>,
    %swap3A_412 = arith.constant 304 : index
    %swap3A_413 = tpu.vector_load %arg11[%swap3A_412] {strides = array<i32>} : memref<960xi32, #tpu.memory_space<vmem>>, vector<16xi32>,
    tpu.vector_store %arg11[%swap3A_412], %add3A_409 {strides = array<i32>} : memref<960xi32, #tpu.memory_space<vmem>>, vector<16xi32>,
    %add3A_414 = arith.constant 7077888 : i32
    %add3A_415 = vector.broadcast %add3A_414 : i32 to vector<16xi32>
    %add3A_416 = arith.addi %add3A_395, %add3A_415 : vector<16xi32>
    %add3A_417 = arith.constant 7077888 : i32
    %add3A_418 = vector.broadcast %add3A_417 : i32 to vector<16xi32>
    %add3A_419 = arith.addi %add3A_403, %add3A_418 : vector<16xi32>
    %swap3A_420 = arith.constant 144 : index
    %swap3A_421 = tpu.vector_load %arg11[%swap3A_420] {strides = array<i32>} : memref<960xi32, #tpu.memory_space<vmem>>, vector<16xi32>,
    tpu.vector_store %arg11[%swap3A_420], %add3A_416 {strides = array<i32>} : memref<960xi32, #tpu.memory_space<vmem>>, vector<16xi32>,
    %swap3A_422 = arith.constant 384 : index
    %swap3A_423 = tpu.vector_load %arg11[%swap3A_422] {strides = array<i32>} : memref<960xi32, #tpu.memory_space<vmem>>, vector<16xi32>,
    tpu.vector_store %arg11[%swap3A_422], %add3A_419 {strides = array<i32>} : memref<960xi32, #tpu.memory_space<vmem>>, vector<16xi32>,
    %add3A_424 = arith.constant 14155776 : i32
    %add3A_425 = vector.broadcast %add3A_424 : i32 to vector<16xi32>
    %add3A_426 = arith.addi %add3A_395, %add3A_425 : vector<16xi32>
    %add3A_427 = arith.constant 14155776 : i32
    %add3A_428 = vector.broadcast %add3A_427 : i32 to vector<16xi32>
    %add3A_429 = arith.addi %add3A_403, %add3A_428 : vector<16xi32>
    %swap3A_430 = arith.constant 224 : index
    %swap3A_431 = tpu.vector_load %arg11[%swap3A_430] {strides = array<i32>} : memref<960xi32, #tpu.memory_space<vmem>>, vector<16xi32>,
    tpu.vector_store %arg11[%swap3A_430], %add3A_426 {strides = array<i32>} : memref<960xi32, #tpu.memory_space<vmem>>, vector<16xi32>,
    %swap3A_432 = arith.constant 464 : index
    %swap3A_433 = tpu.vector_load %arg11[%swap3A_432] {strides = array<i32>} : memref<960xi32, #tpu.memory_space<vmem>>, vector<16xi32>,
    tpu.vector_store %arg11[%swap3A_432], %add3A_429 {strides = array<i32>} : memref<960xi32, #tpu.memory_space<vmem>>, vector<16xi32>,
    %dma_start3A_434 = arith.constant 0 : i32
    %dma_start3A_435 = tpu.memref_slice %arg12[%dma_start3A_434] : memref<960xf32, #tpu.memory_space<vmem>> -> memref<480xf32, #tpu.memory_space<vmem>>
    %dma_start3A_436 = arith.constant 0 : i32
    %dma_start3A_437 = tpu.memref_slice %arg11[%dma_start3A_436] : memref<960xi32, #tpu.memory_space<vmem>> -> memref<480xi32, #tpu.memory_space<vmem>>
    %dma_start3A_438 = arith.constant 0 : i32
    %dma_start3A_439 = tpu.memref_slice %arg4[%dma_start3A_438] : memref<21233664xf32, #tpu.memory_space<hbm>> -> memref<21233664xf32, #tpu.memory_space<hbm>>
    tpu.enqueue_indirect_dma source(%dma_start3A_439 : memref<21233664xf32, #tpu.memory_space<hbm>>) target(%dma_start3A_435 : memref<480xf32, #tpu.memory_space<vmem>>) offsets(%dma_start3A_437 : memref<480xi32, #tpu.memory_space<vmem>>) semaphore(%arg14 : memref<!tpu.dma_semaphore, #tpu.memory_space<semaphore_mem>>)
    %add3A_440 = arith.constant 240 : i32
    %add3A_441 = vector.broadcast %add3A_440 : i32 to vector<16xi32>
    %add3A_442 = arith.addi %mul3A_13, %add3A_441 : vector<16xi32>
    %gather3A_443 = tpu.vector_load_idx %arg7[%add3A_442] : memref<480xf32, #tpu.memory_space<vmem>>[vector<16xi32>], vector<16xf32>,
    %add3A_444 = arith.constant 1 : i32
    %add3A_445 = vector.broadcast %add3A_444 : i32 to vector<16xi32>
    %add3A_446 = arith.addi %add3A_442, %add3A_445 : vector<16xi32>
    %gather3A_447 = tpu.vector_load_idx %arg7[%add3A_446] : memref<480xf32, #tpu.memory_space<vmem>>[vector<16xi32>], vector<16xf32>,
    %add3A_448 = arith.constant 2 : i32
    %add3A_449 = vector.broadcast %add3A_448 : i32 to vector<16xi32>
    %add3A_450 = arith.addi %add3A_442, %add3A_449 : vector<16xi32>
    %gather3A_451 = tpu.vector_load_idx %arg7[%add3A_450] : memref<480xf32, #tpu.memory_space<vmem>>[vector<16xi32>], vector<16xf32>,
    %swap3A_452 = arith.constant 80 : index
    %swap3A_453 = tpu.vector_load %arg9[%swap3A_452] {strides = array<i32>} : memref<480xf32, #tpu.memory_space<vmem>>, vector<16xf32>,
    tpu.vector_store %arg9[%swap3A_452], %gather3A_443 {strides = array<i32>} : memref<480xf32, #tpu.memory_space<vmem>>, vector<16xf32>,
    %swap3A_454 = arith.constant 240 : index
    %swap3A_455 = tpu.vector_load %arg9[%swap3A_454] {strides = array<i32>} : memref<480xf32, #tpu.memory_space<vmem>>, vector<16xf32>,
    tpu.vector_store %arg9[%swap3A_454], %gather3A_447 {strides = array<i32>} : memref<480xf32, #tpu.memory_space<vmem>>, vector<16xf32>,
    %swap3A_456 = arith.constant 400 : index
    %swap3A_457 = tpu.vector_load %arg9[%swap3A_456] {strides = array<i32>} : memref<480xf32, #tpu.memory_space<vmem>>, vector<16xf32>,
    tpu.vector_store %arg9[%swap3A_456], %gather3A_451 {strides = array<i32>} : memref<480xf32, #tpu.memory_space<vmem>>, vector<16xf32>,
    %convert_element_type3A_458 = arith.fptosi %gather3A_443 : vector<16xf32> to vector<16xi32>
    %convert_element_type3A_459 = arith.fptosi %gather3A_447 : vector<16xf32> to vector<16xi32>
    %convert_element_type3A_460 = arith.fptosi %gather3A_451 : vector<16xf32> to vector<16xi32>
    %convert_element_type3A_461 = arith.sitofp %convert_element_type3A_458 : vector<16xi32> to vector<16xf32>
    %gt3A_462 = arith.cmpf ogt, %gather3A_443, %convert_element_type3A_461 : vector<16xf32>
    %add3A_463 = arith.constant 1 : i32
    %add3A_464 = vector.broadcast %add3A_463 : i32 to vector<16xi32>
    %add3A_465 = arith.addi %convert_element_type3A_458, %add3A_464 : vector<16xi32>
    %select_n3A_466 = arith.select %gt3A_462, %add3A_465, %convert_element_type3A_458 : vector<16xi1>, vector<16xi32>
    %convert_element_type3A_467 = arith.sitofp %convert_element_type3A_459 : vector<16xi32> to vector<16xf32>
    %gt3A_468 = arith.cmpf ogt, %gather3A_447, %convert_element_type3A_467 : vector<16xf32>
    %add3A_469 = arith.constant 1 : i32
    %add3A_470 = vector.broadcast %add3A_469 : i32 to vector<16xi32>
    %add3A_471 = arith.addi %convert_element_type3A_459, %add3A_470 : vector<16xi32>
    %select_n3A_472 = arith.select %gt3A_468, %add3A_471, %convert_element_type3A_459 : vector<16xi1>, vector<16xi32>
    %convert_element_type3A_473 = arith.sitofp %convert_element_type3A_460 : vector<16xi32> to vector<16xf32>
    %gt3A_474 = arith.cmpf ogt, %gather3A_451, %convert_element_type3A_473 : vector<16xf32>
    %add3A_475 = arith.constant 1 : i32
    %add3A_476 = vector.broadcast %add3A_475 : i32 to vector<16xi32>
    %add3A_477 = arith.addi %convert_element_type3A_460, %add3A_476 : vector<16xi32>
    %select_n3A_478 = arith.select %gt3A_474, %add3A_477, %convert_element_type3A_460 : vector<16xi1>, vector<16xi32>
    %mul3A_479 = arith.constant 36864 : i32
    %mul3A_480 = vector.broadcast %mul3A_479 : i32 to vector<16xi32>
    %mul3A_481 = arith.muli %convert_element_type3A_458, %mul3A_480 : vector<16xi32>
    %mul3A_482 = arith.constant 192 : i32
    %mul3A_483 = vector.broadcast %mul3A_482 : i32 to vector<16xi32>
    %mul3A_484 = arith.muli %convert_element_type3A_459, %mul3A_483 : vector<16xi32>
    %add3A_485 = arith.addi %mul3A_481, %mul3A_484 : vector<16xi32>
    %add3A_486 = arith.addi %add3A_485, %convert_element_type3A_460 : vector<16xi32>
    %mul3A_487 = arith.constant 36864 : i32
    %mul3A_488 = vector.broadcast %mul3A_487 : i32 to vector<16xi32>
    %mul3A_489 = arith.muli %select_n3A_466, %mul3A_488 : vector<16xi32>
    %mul3A_490 = arith.constant 192 : i32
    %mul3A_491 = vector.broadcast %mul3A_490 : i32 to vector<16xi32>
    %mul3A_492 = arith.muli %select_n3A_472, %mul3A_491 : vector<16xi32>
    %add3A_493 = arith.addi %mul3A_489, %mul3A_492 : vector<16xi32>
    %add3A_494 = arith.addi %add3A_493, %select_n3A_478 : vector<16xi32>
    %add3A_495 = arith.constant 0 : i32
    %add3A_496 = vector.broadcast %add3A_495 : i32 to vector<16xi32>
    %add3A_497 = arith.addi %add3A_486, %add3A_496 : vector<16xi32>
    %add3A_498 = arith.constant 0 : i32
    %add3A_499 = vector.broadcast %add3A_498 : i32 to vector<16xi32>
    %add3A_500 = arith.addi %add3A_494, %add3A_499 : vector<16xi32>
    %swap3A_501 = arith.constant 480 : index
    %swap3A_502 = tpu.vector_load %arg11[%swap3A_501] {strides = array<i32>} : memref<960xi32, #tpu.memory_space<vmem>>, vector<16xi32>,
    tpu.vector_store %arg11[%swap3A_501], %add3A_497 {strides = array<i32>} : memref<960xi32, #tpu.memory_space<vmem>>, vector<16xi32>,
    %swap3A_503 = arith.constant 720 : index
    %swap3A_504 = tpu.vector_load %arg11[%swap3A_503] {strides = array<i32>} : memref<960xi32, #tpu.memory_space<vmem>>, vector<16xi32>,
    tpu.vector_store %arg11[%swap3A_503], %add3A_500 {strides = array<i32>} : memref<960xi32, #tpu.memory_space<vmem>>, vector<16xi32>,
    %add3A_505 = arith.constant 7077888 : i32
    %add3A_506 = vector.broadcast %add3A_505 : i32 to vector<16xi32>
    %add3A_507 = arith.addi %add3A_486, %add3A_506 : vector<16xi32>
    %add3A_508 = arith.constant 7077888 : i32
    %add3A_509 = vector.broadcast %add3A_508 : i32 to vector<16xi32>
    %add3A_510 = arith.addi %add3A_494, %add3A_509 : vector<16xi32>
    %swap3A_511 = arith.constant 560 : index
    %swap3A_512 = tpu.vector_load %arg11[%swap3A_511] {strides = array<i32>} : memref<960xi32, #tpu.memory_space<vmem>>, vector<16xi32>,
    tpu.vector_store %arg11[%swap3A_511], %add3A_507 {strides = array<i32>} : memref<960xi32, #tpu.memory_space<vmem>>, vector<16xi32>,
    %swap3A_513 = arith.constant 800 : index
    %swap3A_514 = tpu.vector_load %arg11[%swap3A_513] {strides = array<i32>} : memref<960xi32, #tpu.memory_space<vmem>>, vector<16xi32>,
    tpu.vector_store %arg11[%swap3A_513], %add3A_510 {strides = array<i32>} : memref<960xi32, #tpu.memory_space<vmem>>, vector<16xi32>,
    %add3A_515 = arith.constant 14155776 : i32
    %add3A_516 = vector.broadcast %add3A_515 : i32 to vector<16xi32>
    %add3A_517 = arith.addi %add3A_486, %add3A_516 : vector<16xi32>
    %add3A_518 = arith.constant 14155776 : i32
    %add3A_519 = vector.broadcast %add3A_518 : i32 to vector<16xi32>
    %add3A_520 = arith.addi %add3A_494, %add3A_519 : vector<16xi32>
    %swap3A_521 = arith.constant 640 : index
    %swap3A_522 = tpu.vector_load %arg11[%swap3A_521] {strides = array<i32>} : memref<960xi32, #tpu.memory_space<vmem>>, vector<16xi32>,
    tpu.vector_store %arg11[%swap3A_521], %add3A_517 {strides = array<i32>} : memref<960xi32, #tpu.memory_space<vmem>>, vector<16xi32>,
    %swap3A_523 = arith.constant 880 : index
    %swap3A_524 = tpu.vector_load %arg11[%swap3A_523] {strides = array<i32>} : memref<960xi32, #tpu.memory_space<vmem>>, vector<16xi32>,
    tpu.vector_store %arg11[%swap3A_523], %add3A_520 {strides = array<i32>} : memref<960xi32, #tpu.memory_space<vmem>>, vector<16xi32>,
    %add3A_525 = arith.constant 288 : i32
    %add3A_526 = vector.broadcast %add3A_525 : i32 to vector<16xi32>
    %add3A_527 = arith.addi %mul3A_13, %add3A_526 : vector<16xi32>
    %gather3A_528 = tpu.vector_load_idx %arg7[%add3A_527] : memref<480xf32, #tpu.memory_space<vmem>>[vector<16xi32>], vector<16xf32>,
    %add3A_529 = arith.constant 1 : i32
    %add3A_530 = vector.broadcast %add3A_529 : i32 to vector<16xi32>
    %add3A_531 = arith.addi %add3A_527, %add3A_530 : vector<16xi32>
    %gather3A_532 = tpu.vector_load_idx %arg7[%add3A_531] : memref<480xf32, #tpu.memory_space<vmem>>[vector<16xi32>], vector<16xf32>,
    %add3A_533 = arith.constant 2 : i32
    %add3A_534 = vector.broadcast %add3A_533 : i32 to vector<16xi32>
    %add3A_535 = arith.addi %add3A_527, %add3A_534 : vector<16xi32>
    %gather3A_536 = tpu.vector_load_idx %arg7[%add3A_535] : memref<480xf32, #tpu.memory_space<vmem>>[vector<16xi32>], vector<16xf32>,
    %swap3A_537 = arith.constant 96 : index
    %swap3A_538 = tpu.vector_load %arg9[%swap3A_537] {strides = array<i32>} : memref<480xf32, #tpu.memory_space<vmem>>, vector<16xf32>,
    tpu.vector_store %arg9[%swap3A_537], %gather3A_528 {strides = array<i32>} : memref<480xf32, #tpu.memory_space<vmem>>, vector<16xf32>,
    %swap3A_539 = arith.constant 256 : index
    %swap3A_540 = tpu.vector_load %arg9[%swap3A_539] {strides = array<i32>} : memref<480xf32, #tpu.memory_space<vmem>>, vector<16xf32>,
    tpu.vector_store %arg9[%swap3A_539], %gather3A_532 {strides = array<i32>} : memref<480xf32, #tpu.memory_space<vmem>>, vector<16xf32>,
    %swap3A_541 = arith.constant 416 : index
    %swap3A_542 = tpu.vector_load %arg9[%swap3A_541] {strides = array<i32>} : memref<480xf32, #tpu.memory_space<vmem>>, vector<16xf32>,
    tpu.vector_store %arg9[%swap3A_541], %gather3A_536 {strides = array<i32>} : memref<480xf32, #tpu.memory_space<vmem>>, vector<16xf32>,
    %convert_element_type3A_543 = arith.fptosi %gather3A_528 : vector<16xf32> to vector<16xi32>
    %convert_element_type3A_544 = arith.fptosi %gather3A_532 : vector<16xf32> to vector<16xi32>
    %convert_element_type3A_545 = arith.fptosi %gather3A_536 : vector<16xf32> to vector<16xi32>
    %convert_element_type3A_546 = arith.sitofp %convert_element_type3A_543 : vector<16xi32> to vector<16xf32>
    %gt3A_547 = arith.cmpf ogt, %gather3A_528, %convert_element_type3A_546 : vector<16xf32>
    %add3A_548 = arith.constant 1 : i32
    %add3A_549 = vector.broadcast %add3A_548 : i32 to vector<16xi32>
    %add3A_550 = arith.addi %convert_element_type3A_543, %add3A_549 : vector<16xi32>
    %select_n3A_551 = arith.select %gt3A_547, %add3A_550, %convert_element_type3A_543 : vector<16xi1>, vector<16xi32>
    %convert_element_type3A_552 = arith.sitofp %convert_element_type3A_544 : vector<16xi32> to vector<16xf32>
    %gt3A_553 = arith.cmpf ogt, %gather3A_532, %convert_element_type3A_552 : vector<16xf32>
    %add3A_554 = arith.constant 1 : i32
    %add3A_555 = vector.broadcast %add3A_554 : i32 to vector<16xi32>
    %add3A_556 = arith.addi %convert_element_type3A_544, %add3A_555 : vector<16xi32>
    %select_n3A_557 = arith.select %gt3A_553, %add3A_556, %convert_element_type3A_544 : vector<16xi1>, vector<16xi32>
    %convert_element_type3A_558 = arith.sitofp %convert_element_type3A_545 : vector<16xi32> to vector<16xf32>
    %gt3A_559 = arith.cmpf ogt, %gather3A_536, %convert_element_type3A_558 : vector<16xf32>
    %add3A_560 = arith.constant 1 : i32
    %add3A_561 = vector.broadcast %add3A_560 : i32 to vector<16xi32>
    %add3A_562 = arith.addi %convert_element_type3A_545, %add3A_561 : vector<16xi32>
    %select_n3A_563 = arith.select %gt3A_559, %add3A_562, %convert_element_type3A_545 : vector<16xi1>, vector<16xi32>
    %mul3A_564 = arith.constant 36864 : i32
    %mul3A_565 = vector.broadcast %mul3A_564 : i32 to vector<16xi32>
    %mul3A_566 = arith.muli %convert_element_type3A_543, %mul3A_565 : vector<16xi32>
    %mul3A_567 = arith.constant 192 : i32
    %mul3A_568 = vector.broadcast %mul3A_567 : i32 to vector<16xi32>
    %mul3A_569 = arith.muli %convert_element_type3A_544, %mul3A_568 : vector<16xi32>
    %add3A_570 = arith.addi %mul3A_566, %mul3A_569 : vector<16xi32>
    %add3A_571 = arith.addi %add3A_570, %convert_element_type3A_545 : vector<16xi32>
    %mul3A_572 = arith.constant 36864 : i32
    %mul3A_573 = vector.broadcast %mul3A_572 : i32 to vector<16xi32>
    %mul3A_574 = arith.muli %select_n3A_551, %mul3A_573 : vector<16xi32>
    %mul3A_575 = arith.constant 192 : i32
    %mul3A_576 = vector.broadcast %mul3A_575 : i32 to vector<16xi32>
    %mul3A_577 = arith.muli %select_n3A_557, %mul3A_576 : vector<16xi32>
    %add3A_578 = arith.addi %mul3A_574, %mul3A_577 : vector<16xi32>
    %add3A_579 = arith.addi %add3A_578, %select_n3A_563 : vector<16xi32>
    %add3A_580 = arith.constant 0 : i32
    %add3A_581 = vector.broadcast %add3A_580 : i32 to vector<16xi32>
    %add3A_582 = arith.addi %add3A_571, %add3A_581 : vector<16xi32>
    %add3A_583 = arith.constant 0 : i32
    %add3A_584 = vector.broadcast %add3A_583 : i32 to vector<16xi32>
    %add3A_585 = arith.addi %add3A_579, %add3A_584 : vector<16xi32>
    %swap3A_586 = arith.constant 496 : index
    %swap3A_587 = tpu.vector_load %arg11[%swap3A_586] {strides = array<i32>} : memref<960xi32, #tpu.memory_space<vmem>>, vector<16xi32>,
    tpu.vector_store %arg11[%swap3A_586], %add3A_582 {strides = array<i32>} : memref<960xi32, #tpu.memory_space<vmem>>, vector<16xi32>,
    %swap3A_588 = arith.constant 736 : index
    %swap3A_589 = tpu.vector_load %arg11[%swap3A_588] {strides = array<i32>} : memref<960xi32, #tpu.memory_space<vmem>>, vector<16xi32>,
    tpu.vector_store %arg11[%swap3A_588], %add3A_585 {strides = array<i32>} : memref<960xi32, #tpu.memory_space<vmem>>, vector<16xi32>,
    %add3A_590 = arith.constant 7077888 : i32
    %add3A_591 = vector.broadcast %add3A_590 : i32 to vector<16xi32>
    %add3A_592 = arith.addi %add3A_571, %add3A_591 : vector<16xi32>
    %add3A_593 = arith.constant 7077888 : i32
    %add3A_594 = vector.broadcast %add3A_593 : i32 to vector<16xi32>
    %add3A_595 = arith.addi %add3A_579, %add3A_594 : vector<16xi32>
    %swap3A_596 = arith.constant 576 : index
    %swap3A_597 = tpu.vector_load %arg11[%swap3A_596] {strides = array<i32>} : memref<960xi32, #tpu.memory_space<vmem>>, vector<16xi32>,
    tpu.vector_store %arg11[%swap3A_596], %add3A_592 {strides = array<i32>} : memref<960xi32, #tpu.memory_space<vmem>>, vector<16xi32>,
    %swap3A_598 = arith.constant 816 : index
    %swap3A_599 = tpu.vector_load %arg11[%swap3A_598] {strides = array<i32>} : memref<960xi32, #tpu.memory_space<vmem>>, vector<16xi32>,
    tpu.vector_store %arg11[%swap3A_598], %add3A_595 {strides = array<i32>} : memref<960xi32, #tpu.memory_space<vmem>>, vector<16xi32>,
    %add3A_600 = arith.constant 14155776 : i32
    %add3A_601 = vector.broadcast %add3A_600 : i32 to vector<16xi32>
    %add3A_602 = arith.addi %add3A_571, %add3A_601 : vector<16xi32>
    %add3A_603 = arith.constant 14155776 : i32
    %add3A_604 = vector.broadcast %add3A_603 : i32 to vector<16xi32>
    %add3A_605 = arith.addi %add3A_579, %add3A_604 : vector<16xi32>
    %swap3A_606 = arith.constant 656 : index
    %swap3A_607 = tpu.vector_load %arg11[%swap3A_606] {strides = array<i32>} : memref<960xi32, #tpu.memory_space<vmem>>, vector<16xi32>,
    tpu.vector_store %arg11[%swap3A_606], %add3A_602 {strides = array<i32>} : memref<960xi32, #tpu.memory_space<vmem>>, vector<16xi32>,
    %swap3A_608 = arith.constant 896 : index
    %swap3A_609 = tpu.vector_load %arg11[%swap3A_608] {strides = array<i32>} : memref<960xi32, #tpu.memory_space<vmem>>, vector<16xi32>,
    tpu.vector_store %arg11[%swap3A_608], %add3A_605 {strides = array<i32>} : memref<960xi32, #tpu.memory_space<vmem>>, vector<16xi32>,
    %add3A_610 = arith.constant 336 : i32
    %add3A_611 = vector.broadcast %add3A_610 : i32 to vector<16xi32>
    %add3A_612 = arith.addi %mul3A_13, %add3A_611 : vector<16xi32>
    %gather3A_613 = tpu.vector_load_idx %arg7[%add3A_612] : memref<480xf32, #tpu.memory_space<vmem>>[vector<16xi32>], vector<16xf32>,
    %add3A_614 = arith.constant 1 : i32
    %add3A_615 = vector.broadcast %add3A_614 : i32 to vector<16xi32>
    %add3A_616 = arith.addi %add3A_612, %add3A_615 : vector<16xi32>
    %gather3A_617 = tpu.vector_load_idx %arg7[%add3A_616] : memref<480xf32, #tpu.memory_space<vmem>>[vector<16xi32>], vector<16xf32>,
    %add3A_618 = arith.constant 2 : i32
    %add3A_619 = vector.broadcast %add3A_618 : i32 to vector<16xi32>
    %add3A_620 = arith.addi %add3A_612, %add3A_619 : vector<16xi32>
    %gather3A_621 = tpu.vector_load_idx %arg7[%add3A_620] : memref<480xf32, #tpu.memory_space<vmem>>[vector<16xi32>], vector<16xf32>,
    %swap3A_622 = arith.constant 112 : index
    %swap3A_623 = tpu.vector_load %arg9[%swap3A_622] {strides = array<i32>} : memref<480xf32, #tpu.memory_space<vmem>>, vector<16xf32>,
    tpu.vector_store %arg9[%swap3A_622], %gather3A_613 {strides = array<i32>} : memref<480xf32, #tpu.memory_space<vmem>>, vector<16xf32>,
    %swap3A_624 = arith.constant 272 : index
    %swap3A_625 = tpu.vector_load %arg9[%swap3A_624] {strides = array<i32>} : memref<480xf32, #tpu.memory_space<vmem>>, vector<16xf32>,
    tpu.vector_store %arg9[%swap3A_624], %gather3A_617 {strides = array<i32>} : memref<480xf32, #tpu.memory_space<vmem>>, vector<16xf32>,
    %swap3A_626 = arith.constant 432 : index
    %swap3A_627 = tpu.vector_load %arg9[%swap3A_626] {strides = array<i32>} : memref<480xf32, #tpu.memory_space<vmem>>, vector<16xf32>,
    tpu.vector_store %arg9[%swap3A_626], %gather3A_621 {strides = array<i32>} : memref<480xf32, #tpu.memory_space<vmem>>, vector<16xf32>,
    %convert_element_type3A_628 = arith.fptosi %gather3A_613 : vector<16xf32> to vector<16xi32>
    %convert_element_type3A_629 = arith.fptosi %gather3A_617 : vector<16xf32> to vector<16xi32>
    %convert_element_type3A_630 = arith.fptosi %gather3A_621 : vector<16xf32> to vector<16xi32>
    %convert_element_type3A_631 = arith.sitofp %convert_element_type3A_628 : vector<16xi32> to vector<16xf32>
    %gt3A_632 = arith.cmpf ogt, %gather3A_613, %convert_element_type3A_631 : vector<16xf32>
    %add3A_633 = arith.constant 1 : i32
    %add3A_634 = vector.broadcast %add3A_633 : i32 to vector<16xi32>
    %add3A_635 = arith.addi %convert_element_type3A_628, %add3A_634 : vector<16xi32>
    %select_n3A_636 = arith.select %gt3A_632, %add3A_635, %convert_element_type3A_628 : vector<16xi1>, vector<16xi32>
    %convert_element_type3A_637 = arith.sitofp %convert_element_type3A_629 : vector<16xi32> to vector<16xf32>
    %gt3A_638 = arith.cmpf ogt, %gather3A_617, %convert_element_type3A_637 : vector<16xf32>
    %add3A_639 = arith.constant 1 : i32
    %add3A_640 = vector.broadcast %add3A_639 : i32 to vector<16xi32>
    %add3A_641 = arith.addi %convert_element_type3A_629, %add3A_640 : vector<16xi32>
    %select_n3A_642 = arith.select %gt3A_638, %add3A_641, %convert_element_type3A_629 : vector<16xi1>, vector<16xi32>
    %convert_element_type3A_643 = arith.sitofp %convert_element_type3A_630 : vector<16xi32> to vector<16xf32>
    %gt3A_644 = arith.cmpf ogt, %gather3A_621, %convert_element_type3A_643 : vector<16xf32>
    %add3A_645 = arith.constant 1 : i32
    %add3A_646 = vector.broadcast %add3A_645 : i32 to vector<16xi32>
    %add3A_647 = arith.addi %convert_element_type3A_630, %add3A_646 : vector<16xi32>
    %select_n3A_648 = arith.select %gt3A_644, %add3A_647, %convert_element_type3A_630 : vector<16xi1>, vector<16xi32>
    %mul3A_649 = arith.constant 36864 : i32
    %mul3A_650 = vector.broadcast %mul3A_649 : i32 to vector<16xi32>
    %mul3A_651 = arith.muli %convert_element_type3A_628, %mul3A_650 : vector<16xi32>
    %mul3A_652 = arith.constant 192 : i32
    %mul3A_653 = vector.broadcast %mul3A_652 : i32 to vector<16xi32>
    %mul3A_654 = arith.muli %convert_element_type3A_629, %mul3A_653 : vector<16xi32>
    %add3A_655 = arith.addi %mul3A_651, %mul3A_654 : vector<16xi32>
    %add3A_656 = arith.addi %add3A_655, %convert_element_type3A_630 : vector<16xi32>
    %mul3A_657 = arith.constant 36864 : i32
    %mul3A_658 = vector.broadcast %mul3A_657 : i32 to vector<16xi32>
    %mul3A_659 = arith.muli %select_n3A_636, %mul3A_658 : vector<16xi32>
    %mul3A_660 = arith.constant 192 : i32
    %mul3A_661 = vector.broadcast %mul3A_660 : i32 to vector<16xi32>
    %mul3A_662 = arith.muli %select_n3A_642, %mul3A_661 : vector<16xi32>
    %add3A_663 = arith.addi %mul3A_659, %mul3A_662 : vector<16xi32>
    %add3A_664 = arith.addi %add3A_663, %select_n3A_648 : vector<16xi32>
    %add3A_665 = arith.constant 0 : i32
    %add3A_666 = vector.broadcast %add3A_665 : i32 to vector<16xi32>
    %add3A_667 = arith.addi %add3A_656, %add3A_666 : vector<16xi32>
    %add3A_668 = arith.constant 0 : i32
    %add3A_669 = vector.broadcast %add3A_668 : i32 to vector<16xi32>
    %add3A_670 = arith.addi %add3A_664, %add3A_669 : vector<16xi32>
    %swap3A_671 = arith.constant 512 : index
    %swap3A_672 = tpu.vector_load %arg11[%swap3A_671] {strides = array<i32>} : memref<960xi32, #tpu.memory_space<vmem>>, vector<16xi32>,
    tpu.vector_store %arg11[%swap3A_671], %add3A_667 {strides = array<i32>} : memref<960xi32, #tpu.memory_space<vmem>>, vector<16xi32>,
    %swap3A_673 = arith.constant 752 : index
    %swap3A_674 = tpu.vector_load %arg11[%swap3A_673] {strides = array<i32>} : memref<960xi32, #tpu.memory_space<vmem>>, vector<16xi32>,
    tpu.vector_store %arg11[%swap3A_673], %add3A_670 {strides = array<i32>} : memref<960xi32, #tpu.memory_space<vmem>>, vector<16xi32>,
    %add3A_675 = arith.constant 7077888 : i32
    %add3A_676 = vector.broadcast %add3A_675 : i32 to vector<16xi32>
    %add3A_677 = arith.addi %add3A_656, %add3A_676 : vector<16xi32>
    %add3A_678 = arith.constant 7077888 : i32
    %add3A_679 = vector.broadcast %add3A_678 : i32 to vector<16xi32>
    %add3A_680 = arith.addi %add3A_664, %add3A_679 : vector<16xi32>
    %swap3A_681 = arith.constant 592 : index
    %swap3A_682 = tpu.vector_load %arg11[%swap3A_681] {strides = array<i32>} : memref<960xi32, #tpu.memory_space<vmem>>, vector<16xi32>,
    tpu.vector_store %arg11[%swap3A_681], %add3A_677 {strides = array<i32>} : memref<960xi32, #tpu.memory_space<vmem>>, vector<16xi32>,
    %swap3A_683 = arith.constant 832 : index
    %swap3A_684 = tpu.vector_load %arg11[%swap3A_683] {strides = array<i32>} : memref<960xi32, #tpu.memory_space<vmem>>, vector<16xi32>,
    tpu.vector_store %arg11[%swap3A_683], %add3A_680 {strides = array<i32>} : memref<960xi32, #tpu.memory_space<vmem>>, vector<16xi32>,
    %add3A_685 = arith.constant 14155776 : i32
    %add3A_686 = vector.broadcast %add3A_685 : i32 to vector<16xi32>
    %add3A_687 = arith.addi %add3A_656, %add3A_686 : vector<16xi32>
    %add3A_688 = arith.constant 14155776 : i32
    %add3A_689 = vector.broadcast %add3A_688 : i32 to vector<16xi32>
    %add3A_690 = arith.addi %add3A_664, %add3A_689 : vector<16xi32>
    %swap3A_691 = arith.constant 672 : index
    %swap3A_692 = tpu.vector_load %arg11[%swap3A_691] {strides = array<i32>} : memref<960xi32, #tpu.memory_space<vmem>>, vector<16xi32>,
    tpu.vector_store %arg11[%swap3A_691], %add3A_687 {strides = array<i32>} : memref<960xi32, #tpu.memory_space<vmem>>, vector<16xi32>,
    %swap3A_693 = arith.constant 912 : index
    %swap3A_694 = tpu.vector_load %arg11[%swap3A_693] {strides = array<i32>} : memref<960xi32, #tpu.memory_space<vmem>>, vector<16xi32>,
    tpu.vector_store %arg11[%swap3A_693], %add3A_690 {strides = array<i32>} : memref<960xi32, #tpu.memory_space<vmem>>, vector<16xi32>,
    %add3A_695 = arith.constant 384 : i32
    %add3A_696 = vector.broadcast %add3A_695 : i32 to vector<16xi32>
    %add3A_697 = arith.addi %mul3A_13, %add3A_696 : vector<16xi32>
    %gather3A_698 = tpu.vector_load_idx %arg7[%add3A_697] : memref<480xf32, #tpu.memory_space<vmem>>[vector<16xi32>], vector<16xf32>,
    %add3A_699 = arith.constant 1 : i32
    %add3A_700 = vector.broadcast %add3A_699 : i32 to vector<16xi32>
    %add3A_701 = arith.addi %add3A_697, %add3A_700 : vector<16xi32>
    %gather3A_702 = tpu.vector_load_idx %arg7[%add3A_701] : memref<480xf32, #tpu.memory_space<vmem>>[vector<16xi32>], vector<16xf32>,
    %add3A_703 = arith.constant 2 : i32
    %add3A_704 = vector.broadcast %add3A_703 : i32 to vector<16xi32>
    %add3A_705 = arith.addi %add3A_697, %add3A_704 : vector<16xi32>
    %gather3A_706 = tpu.vector_load_idx %arg7[%add3A_705] : memref<480xf32, #tpu.memory_space<vmem>>[vector<16xi32>], vector<16xf32>,
    %swap3A_707 = arith.constant 128 : index
    %swap3A_708 = tpu.vector_load %arg9[%swap3A_707] {strides = array<i32>} : memref<480xf32, #tpu.memory_space<vmem>>, vector<16xf32>,
    tpu.vector_store %arg9[%swap3A_707], %gather3A_698 {strides = array<i32>} : memref<480xf32, #tpu.memory_space<vmem>>, vector<16xf32>,
    %swap3A_709 = arith.constant 288 : index
    %swap3A_710 = tpu.vector_load %arg9[%swap3A_709] {strides = array<i32>} : memref<480xf32, #tpu.memory_space<vmem>>, vector<16xf32>,
    tpu.vector_store %arg9[%swap3A_709], %gather3A_702 {strides = array<i32>} : memref<480xf32, #tpu.memory_space<vmem>>, vector<16xf32>,
    %swap3A_711 = arith.constant 448 : index
    %swap3A_712 = tpu.vector_load %arg9[%swap3A_711] {strides = array<i32>} : memref<480xf32, #tpu.memory_space<vmem>>, vector<16xf32>,
    tpu.vector_store %arg9[%swap3A_711], %gather3A_706 {strides = array<i32>} : memref<480xf32, #tpu.memory_space<vmem>>, vector<16xf32>,
    %convert_element_type3A_713 = arith.fptosi %gather3A_698 : vector<16xf32> to vector<16xi32>
    %convert_element_type3A_714 = arith.fptosi %gather3A_702 : vector<16xf32> to vector<16xi32>
    %convert_element_type3A_715 = arith.fptosi %gather3A_706 : vector<16xf32> to vector<16xi32>
    %convert_element_type3A_716 = arith.sitofp %convert_element_type3A_713 : vector<16xi32> to vector<16xf32>
    %gt3A_717 = arith.cmpf ogt, %gather3A_698, %convert_element_type3A_716 : vector<16xf32>
    %add3A_718 = arith.constant 1 : i32
    %add3A_719 = vector.broadcast %add3A_718 : i32 to vector<16xi32>
    %add3A_720 = arith.addi %convert_element_type3A_713, %add3A_719 : vector<16xi32>
    %select_n3A_721 = arith.select %gt3A_717, %add3A_720, %convert_element_type3A_713 : vector<16xi1>, vector<16xi32>
    %convert_element_type3A_722 = arith.sitofp %convert_element_type3A_714 : vector<16xi32> to vector<16xf32>
    %gt3A_723 = arith.cmpf ogt, %gather3A_702, %convert_element_type3A_722 : vector<16xf32>
    %add3A_724 = arith.constant 1 : i32
    %add3A_725 = vector.broadcast %add3A_724 : i32 to vector<16xi32>
    %add3A_726 = arith.addi %convert_element_type3A_714, %add3A_725 : vector<16xi32>
    %select_n3A_727 = arith.select %gt3A_723, %add3A_726, %convert_element_type3A_714 : vector<16xi1>, vector<16xi32>
    %convert_element_type3A_728 = arith.sitofp %convert_element_type3A_715 : vector<16xi32> to vector<16xf32>
    %gt3A_729 = arith.cmpf ogt, %gather3A_706, %convert_element_type3A_728 : vector<16xf32>
    %add3A_730 = arith.constant 1 : i32
    %add3A_731 = vector.broadcast %add3A_730 : i32 to vector<16xi32>
    %add3A_732 = arith.addi %convert_element_type3A_715, %add3A_731 : vector<16xi32>
    %select_n3A_733 = arith.select %gt3A_729, %add3A_732, %convert_element_type3A_715 : vector<16xi1>, vector<16xi32>
    %mul3A_734 = arith.constant 36864 : i32
    %mul3A_735 = vector.broadcast %mul3A_734 : i32 to vector<16xi32>
    %mul3A_736 = arith.muli %convert_element_type3A_713, %mul3A_735 : vector<16xi32>
    %mul3A_737 = arith.constant 192 : i32
    %mul3A_738 = vector.broadcast %mul3A_737 : i32 to vector<16xi32>
    %mul3A_739 = arith.muli %convert_element_type3A_714, %mul3A_738 : vector<16xi32>
    %add3A_740 = arith.addi %mul3A_736, %mul3A_739 : vector<16xi32>
    %add3A_741 = arith.addi %add3A_740, %convert_element_type3A_715 : vector<16xi32>
    %mul3A_742 = arith.constant 36864 : i32
    %mul3A_743 = vector.broadcast %mul3A_742 : i32 to vector<16xi32>
    %mul3A_744 = arith.muli %select_n3A_721, %mul3A_743 : vector<16xi32>
    %mul3A_745 = arith.constant 192 : i32
    %mul3A_746 = vector.broadcast %mul3A_745 : i32 to vector<16xi32>
    %mul3A_747 = arith.muli %select_n3A_727, %mul3A_746 : vector<16xi32>
    %add3A_748 = arith.addi %mul3A_744, %mul3A_747 : vector<16xi32>
    %add3A_749 = arith.addi %add3A_748, %select_n3A_733 : vector<16xi32>
    %add3A_750 = arith.constant 0 : i32
    %add3A_751 = vector.broadcast %add3A_750 : i32 to vector<16xi32>
    %add3A_752 = arith.addi %add3A_741, %add3A_751 : vector<16xi32>
    %add3A_753 = arith.constant 0 : i32
    %add3A_754 = vector.broadcast %add3A_753 : i32 to vector<16xi32>
    %add3A_755 = arith.addi %add3A_749, %add3A_754 : vector<16xi32>
    %swap3A_756 = arith.constant 528 : index
    %swap3A_757 = tpu.vector_load %arg11[%swap3A_756] {strides = array<i32>} : memref<960xi32, #tpu.memory_space<vmem>>, vector<16xi32>,
    tpu.vector_store %arg11[%swap3A_756], %add3A_752 {strides = array<i32>} : memref<960xi32, #tpu.memory_space<vmem>>, vector<16xi32>,
    %swap3A_758 = arith.constant 768 : index
    %swap3A_759 = tpu.vector_load %arg11[%swap3A_758] {strides = array<i32>} : memref<960xi32, #tpu.memory_space<vmem>>, vector<16xi32>,
    tpu.vector_store %arg11[%swap3A_758], %add3A_755 {strides = array<i32>} : memref<960xi32, #tpu.memory_space<vmem>>, vector<16xi32>,
    %add3A_760 = arith.constant 7077888 : i32
    %add3A_761 = vector.broadcast %add3A_760 : i32 to vector<16xi32>
    %add3A_762 = arith.addi %add3A_741, %add3A_761 : vector<16xi32>
    %add3A_763 = arith.constant 7077888 : i32
    %add3A_764 = vector.broadcast %add3A_763 : i32 to vector<16xi32>
    %add3A_765 = arith.addi %add3A_749, %add3A_764 : vector<16xi32>
    %swap3A_766 = arith.constant 608 : index
    %swap3A_767 = tpu.vector_load %arg11[%swap3A_766] {strides = array<i32>} : memref<960xi32, #tpu.memory_space<vmem>>, vector<16xi32>,
    tpu.vector_store %arg11[%swap3A_766], %add3A_762 {strides = array<i32>} : memref<960xi32, #tpu.memory_space<vmem>>, vector<16xi32>,
    %swap3A_768 = arith.constant 848 : index
    %swap3A_769 = tpu.vector_load %arg11[%swap3A_768] {strides = array<i32>} : memref<960xi32, #tpu.memory_space<vmem>>, vector<16xi32>,
    tpu.vector_store %arg11[%swap3A_768], %add3A_765 {strides = array<i32>} : memref<960xi32, #tpu.memory_space<vmem>>, vector<16xi32>,
    %add3A_770 = arith.constant 14155776 : i32
    %add3A_771 = vector.broadcast %add3A_770 : i32 to vector<16xi32>
    %add3A_772 = arith.addi %add3A_741, %add3A_771 : vector<16xi32>
    %add3A_773 = arith.constant 14155776 : i32
    %add3A_774 = vector.broadcast %add3A_773 : i32 to vector<16xi32>
    %add3A_775 = arith.addi %add3A_749, %add3A_774 : vector<16xi32>
    %swap3A_776 = arith.constant 688 : index
    %swap3A_777 = tpu.vector_load %arg11[%swap3A_776] {strides = array<i32>} : memref<960xi32, #tpu.memory_space<vmem>>, vector<16xi32>,
    tpu.vector_store %arg11[%swap3A_776], %add3A_772 {strides = array<i32>} : memref<960xi32, #tpu.memory_space<vmem>>, vector<16xi32>,
    %swap3A_778 = arith.constant 928 : index
    %swap3A_779 = tpu.vector_load %arg11[%swap3A_778] {strides = array<i32>} : memref<960xi32, #tpu.memory_space<vmem>>, vector<16xi32>,
    tpu.vector_store %arg11[%swap3A_778], %add3A_775 {strides = array<i32>} : memref<960xi32, #tpu.memory_space<vmem>>, vector<16xi32>,
    %add3A_780 = arith.constant 432 : i32
    %add3A_781 = vector.broadcast %add3A_780 : i32 to vector<16xi32>
    %add3A_782 = arith.addi %mul3A_13, %add3A_781 : vector<16xi32>
    %gather3A_783 = tpu.vector_load_idx %arg7[%add3A_782] : memref<480xf32, #tpu.memory_space<vmem>>[vector<16xi32>], vector<16xf32>,
    %add3A_784 = arith.constant 1 : i32
    %add3A_785 = vector.broadcast %add3A_784 : i32 to vector<16xi32>
    %add3A_786 = arith.addi %add3A_782, %add3A_785 : vector<16xi32>
    %gather3A_787 = tpu.vector_load_idx %arg7[%add3A_786] : memref<480xf32, #tpu.memory_space<vmem>>[vector<16xi32>], vector<16xf32>,
    %add3A_788 = arith.constant 2 : i32
    %add3A_789 = vector.broadcast %add3A_788 : i32 to vector<16xi32>
    %add3A_790 = arith.addi %add3A_782, %add3A_789 : vector<16xi32>
    %gather3A_791 = tpu.vector_load_idx %arg7[%add3A_790] : memref<480xf32, #tpu.memory_space<vmem>>[vector<16xi32>], vector<16xf32>,
    %swap3A_792 = arith.constant 144 : index
    %swap3A_793 = tpu.vector_load %arg9[%swap3A_792] {strides = array<i32>} : memref<480xf32, #tpu.memory_space<vmem>>, vector<16xf32>,
    tpu.vector_store %arg9[%swap3A_792], %gather3A_783 {strides = array<i32>} : memref<480xf32, #tpu.memory_space<vmem>>, vector<16xf32>,
    %swap3A_794 = arith.constant 304 : index
    %swap3A_795 = tpu.vector_load %arg9[%swap3A_794] {strides = array<i32>} : memref<480xf32, #tpu.memory_space<vmem>>, vector<16xf32>,
    tpu.vector_store %arg9[%swap3A_794], %gather3A_787 {strides = array<i32>} : memref<480xf32, #tpu.memory_space<vmem>>, vector<16xf32>,
    %swap3A_796 = arith.constant 464 : index
    %swap3A_797 = tpu.vector_load %arg9[%swap3A_796] {strides = array<i32>} : memref<480xf32, #tpu.memory_space<vmem>>, vector<16xf32>,
    tpu.vector_store %arg9[%swap3A_796], %gather3A_791 {strides = array<i32>} : memref<480xf32, #tpu.memory_space<vmem>>, vector<16xf32>,
    %convert_element_type3A_798 = arith.fptosi %gather3A_783 : vector<16xf32> to vector<16xi32>
    %convert_element_type3A_799 = arith.fptosi %gather3A_787 : vector<16xf32> to vector<16xi32>
    %convert_element_type3A_800 = arith.fptosi %gather3A_791 : vector<16xf32> to vector<16xi32>
    %convert_element_type3A_801 = arith.sitofp %convert_element_type3A_798 : vector<16xi32> to vector<16xf32>
    %gt3A_802 = arith.cmpf ogt, %gather3A_783, %convert_element_type3A_801 : vector<16xf32>
    %add3A_803 = arith.constant 1 : i32
    %add3A_804 = vector.broadcast %add3A_803 : i32 to vector<16xi32>
    %add3A_805 = arith.addi %convert_element_type3A_798, %add3A_804 : vector<16xi32>
    %select_n3A_806 = arith.select %gt3A_802, %add3A_805, %convert_element_type3A_798 : vector<16xi1>, vector<16xi32>
    %convert_element_type3A_807 = arith.sitofp %convert_element_type3A_799 : vector<16xi32> to vector<16xf32>
    %gt3A_808 = arith.cmpf ogt, %gather3A_787, %convert_element_type3A_807 : vector<16xf32>
    %add3A_809 = arith.constant 1 : i32
    %add3A_810 = vector.broadcast %add3A_809 : i32 to vector<16xi32>
    %add3A_811 = arith.addi %convert_element_type3A_799, %add3A_810 : vector<16xi32>
    %select_n3A_812 = arith.select %gt3A_808, %add3A_811, %convert_element_type3A_799 : vector<16xi1>, vector<16xi32>
    %convert_element_type3A_813 = arith.sitofp %convert_element_type3A_800 : vector<16xi32> to vector<16xf32>
    %gt3A_814 = arith.cmpf ogt, %gather3A_791, %convert_element_type3A_813 : vector<16xf32>
    %add3A_815 = arith.constant 1 : i32
    %add3A_816 = vector.broadcast %add3A_815 : i32 to vector<16xi32>
    %add3A_817 = arith.addi %convert_element_type3A_800, %add3A_816 : vector<16xi32>
    %select_n3A_818 = arith.select %gt3A_814, %add3A_817, %convert_element_type3A_800 : vector<16xi1>, vector<16xi32>
    %mul3A_819 = arith.constant 36864 : i32
    %mul3A_820 = vector.broadcast %mul3A_819 : i32 to vector<16xi32>
    %mul3A_821 = arith.muli %convert_element_type3A_798, %mul3A_820 : vector<16xi32>
    %mul3A_822 = arith.constant 192 : i32
    %mul3A_823 = vector.broadcast %mul3A_822 : i32 to vector<16xi32>
    %mul3A_824 = arith.muli %convert_element_type3A_799, %mul3A_823 : vector<16xi32>
    %add3A_825 = arith.addi %mul3A_821, %mul3A_824 : vector<16xi32>
    %add3A_826 = arith.addi %add3A_825, %convert_element_type3A_800 : vector<16xi32>
    %mul3A_827 = arith.constant 36864 : i32
    %mul3A_828 = vector.broadcast %mul3A_827 : i32 to vector<16xi32>
    %mul3A_829 = arith.muli %select_n3A_806, %mul3A_828 : vector<16xi32>
    %mul3A_830 = arith.constant 192 : i32
    %mul3A_831 = vector.broadcast %mul3A_830 : i32 to vector<16xi32>
    %mul3A_832 = arith.muli %select_n3A_812, %mul3A_831 : vector<16xi32>
    %add3A_833 = arith.addi %mul3A_829, %mul3A_832 : vector<16xi32>
    %add3A_834 = arith.addi %add3A_833, %select_n3A_818 : vector<16xi32>
    %add3A_835 = arith.constant 0 : i32
    %add3A_836 = vector.broadcast %add3A_835 : i32 to vector<16xi32>
    %add3A_837 = arith.addi %add3A_826, %add3A_836 : vector<16xi32>
    %add3A_838 = arith.constant 0 : i32
    %add3A_839 = vector.broadcast %add3A_838 : i32 to vector<16xi32>
    %add3A_840 = arith.addi %add3A_834, %add3A_839 : vector<16xi32>
    %swap3A_841 = arith.constant 544 : index
    %swap3A_842 = tpu.vector_load %arg11[%swap3A_841] {strides = array<i32>} : memref<960xi32, #tpu.memory_space<vmem>>, vector<16xi32>,
    tpu.vector_store %arg11[%swap3A_841], %add3A_837 {strides = array<i32>} : memref<960xi32, #tpu.memory_space<vmem>>, vector<16xi32>,
    %swap3A_843 = arith.constant 784 : index
    %swap3A_844 = tpu.vector_load %arg11[%swap3A_843] {strides = array<i32>} : memref<960xi32, #tpu.memory_space<vmem>>, vector<16xi32>,
    tpu.vector_store %arg11[%swap3A_843], %add3A_840 {strides = array<i32>} : memref<960xi32, #tpu.memory_space<vmem>>, vector<16xi32>,
    %add3A_845 = arith.constant 7077888 : i32
    %add3A_846 = vector.broadcast %add3A_845 : i32 to vector<16xi32>
    %add3A_847 = arith.addi %add3A_826, %add3A_846 : vector<16xi32>
    %add3A_848 = arith.constant 7077888 : i32
    %add3A_849 = vector.broadcast %add3A_848 : i32 to vector<16xi32>
    %add3A_850 = arith.addi %add3A_834, %add3A_849 : vector<16xi32>
    %swap3A_851 = arith.constant 624 : index
    %swap3A_852 = tpu.vector_load %arg11[%swap3A_851] {strides = array<i32>} : memref<960xi32, #tpu.memory_space<vmem>>, vector<16xi32>,
    tpu.vector_store %arg11[%swap3A_851], %add3A_847 {strides = array<i32>} : memref<960xi32, #tpu.memory_space<vmem>>, vector<16xi32>,
    %swap3A_853 = arith.constant 864 : index
    %swap3A_854 = tpu.vector_load %arg11[%swap3A_853] {strides = array<i32>} : memref<960xi32, #tpu.memory_space<vmem>>, vector<16xi32>,
    tpu.vector_store %arg11[%swap3A_853], %add3A_850 {strides = array<i32>} : memref<960xi32, #tpu.memory_space<vmem>>, vector<16xi32>,
    %add3A_855 = arith.constant 14155776 : i32
    %add3A_856 = vector.broadcast %add3A_855 : i32 to vector<16xi32>
    %add3A_857 = arith.addi %add3A_826, %add3A_856 : vector<16xi32>
    %add3A_858 = arith.constant 14155776 : i32
    %add3A_859 = vector.broadcast %add3A_858 : i32 to vector<16xi32>
    %add3A_860 = arith.addi %add3A_834, %add3A_859 : vector<16xi32>
    %swap3A_861 = arith.constant 704 : index
    %swap3A_862 = tpu.vector_load %arg11[%swap3A_861] {strides = array<i32>} : memref<960xi32, #tpu.memory_space<vmem>>, vector<16xi32>,
    tpu.vector_store %arg11[%swap3A_861], %add3A_857 {strides = array<i32>} : memref<960xi32, #tpu.memory_space<vmem>>, vector<16xi32>,
    %swap3A_863 = arith.constant 944 : index
    %swap3A_864 = tpu.vector_load %arg11[%swap3A_863] {strides = array<i32>} : memref<960xi32, #tpu.memory_space<vmem>>, vector<16xi32>,
    tpu.vector_store %arg11[%swap3A_863], %add3A_860 {strides = array<i32>} : memref<960xi32, #tpu.memory_space<vmem>>, vector<16xi32>,
    %dma_start3A_865 = arith.constant 480 : i32
    %dma_start3A_866 = tpu.memref_slice %arg12[%dma_start3A_865] : memref<960xf32, #tpu.memory_space<vmem>> -> memref<480xf32, #tpu.memory_space<vmem>>
    %dma_start3A_867 = arith.constant 480 : i32
    %dma_start3A_868 = tpu.memref_slice %arg11[%dma_start3A_867] : memref<960xi32, #tpu.memory_space<vmem>> -> memref<480xi32, #tpu.memory_space<vmem>>
    %dma_start3A_869 = arith.constant 0 : i32
    %dma_start3A_870 = tpu.memref_slice %arg4[%dma_start3A_869] : memref<21233664xf32, #tpu.memory_space<hbm>> -> memref<21233664xf32, #tpu.memory_space<hbm>>
    tpu.enqueue_indirect_dma source(%dma_start3A_870 : memref<21233664xf32, #tpu.memory_space<hbm>>) target(%dma_start3A_866 : memref<480xf32, #tpu.memory_space<vmem>>) offsets(%dma_start3A_868 : memref<480xi32, #tpu.memory_space<vmem>>) semaphore(%arg14 : memref<!tpu.dma_semaphore, #tpu.memory_space<semaphore_mem>>)
    %dma_wait3A_871 = arith.constant 0 : i32
    %dma_wait3A_872 = tpu.memref_slice %arg12[%dma_wait3A_871] : memref<960xf32, #tpu.memory_space<vmem>> -> memref<480xf32, #tpu.memory_space<vmem>>
    %dma_wait3A_873 = arith.constant 0 : i32
    %dma_wait3A_874 = tpu.memref_slice %arg11[%dma_wait3A_873] : memref<960xi32, #tpu.memory_space<vmem>> -> memref<480xi32, #tpu.memory_space<vmem>>
    %dma_wait3A_875 = arith.constant 0 : i32
    %dma_wait3A_876 = tpu.memref_slice %arg4[%dma_wait3A_875] : memref<21233664xf32, #tpu.memory_space<hbm>> -> memref<21233664xf32, #tpu.memory_space<hbm>>
    tpu.wait_indirect_dma semaphore(%arg14 : memref<!tpu.dma_semaphore, #tpu.memory_space<semaphore_mem>>) src(%dma_wait3A_876 : memref<21233664xf32, #tpu.memory_space<hbm>>) dst(%dma_wait3A_872 : memref<480xf32, #tpu.memory_space<vmem>>)
    %dma_wait3A_877 = arith.constant 480 : i32
    %dma_wait3A_878 = tpu.memref_slice %arg12[%dma_wait3A_877] : memref<960xf32, #tpu.memory_space<vmem>> -> memref<480xf32, #tpu.memory_space<vmem>>
    %dma_wait3A_879 = arith.constant 480 : i32
    %dma_wait3A_880 = tpu.memref_slice %arg11[%dma_wait3A_879] : memref<960xi32, #tpu.memory_space<vmem>> -> memref<480xi32, #tpu.memory_space<vmem>>
    %dma_wait3A_881 = arith.constant 0 : i32
    %dma_wait3A_882 = tpu.memref_slice %arg4[%dma_wait3A_881] : memref<21233664xf32, #tpu.memory_space<hbm>> -> memref<21233664xf32, #tpu.memory_space<hbm>>
    tpu.wait_indirect_dma semaphore(%arg14 : memref<!tpu.dma_semaphore, #tpu.memory_space<semaphore_mem>>) src(%dma_wait3A_882 : memref<21233664xf32, #tpu.memory_space<hbm>>) dst(%dma_wait3A_878 : memref<480xf32, #tpu.memory_space<vmem>>)
    %get3A = arith.constant 0 : index
    %get3A_883 = tpu.vector_load %arg10[%get3A] {strides = array<i32>} : memref<128xf32, #tpu.memory_space<vmem>>, vector<16xf32>,
    %get3A_884 = arith.constant 0 : index
    %get3A_885 = tpu.vector_load %arg12[%get3A_884] {strides = array<i32>} : memref<960xf32, #tpu.memory_space<vmem>>, vector<16xf32>,
    %get3A_886 = arith.constant 240 : index
    %get3A_887 = tpu.vector_load %arg12[%get3A_886] {strides = array<i32>} : memref<960xf32, #tpu.memory_space<vmem>>, vector<16xf32>,
    %add3A_888 = arith.constant 0 : i32
    %add3A_889 = vector.broadcast %add3A_888 : i32 to vector<16xi32>
    %add3A_890 = arith.addi %mul3A_13, %add3A_889 : vector<16xi32>
    %add3A_891 = arith.constant 0 : i32
    %add3A_892 = vector.broadcast %add3A_891 : i32 to vector<16xi32>
    %add3A_893 = arith.addi %add3A_890, %add3A_892 : vector<16xi32>
    %gather3A_894 = tpu.vector_load_idx %arg8[%add3A_893] : memref<480xf32, #tpu.memory_space<vmem>>[vector<16xi32>], vector<16xf32>,
    %add3A_895 = arith.addf %get3A_885, %get3A_887 : vector<16xf32>
    %mul3A_896 = arith.constant 5.000000e-01 : f32
    %mul3A_897 = vector.broadcast %mul3A_896 : f32 to vector<16xf32>
    %mul3A_898 = arith.mulf %add3A_895, %mul3A_897 : vector<16xf32>
    %get3A_899 = arith.constant 0 : index
    %get3A_900 = tpu.vector_load %arg9[%get3A_899] {strides = array<i32>} : memref<480xf32, #tpu.memory_space<vmem>>, vector<16xf32>,
    %add3A_901 = arith.addf %get3A_900, %mul3A_898 : vector<16xf32>
    %sub3A = arith.subf %add3A_901, %gather3A_894 : vector<16xf32>
    %mul3A_902 = arith.mulf %sub3A, %get3A_883 : vector<16xf32>
    %add3A_903 = arith.constant 0 : i32
    %add3A_904 = vector.broadcast %add3A_903 : i32 to vector<16xi32>
    %add3A_905 = arith.addi %mul3A_13, %add3A_904 : vector<16xi32>
    %add3A_906 = arith.constant 0 : i32
    %add3A_907 = vector.broadcast %add3A_906 : i32 to vector<16xi32>
    %add3A_908 = arith.addi %add3A_905, %add3A_907 : vector<16xi32>
    tpu.vector_store_idx %arg13[%add3A_908], %mul3A_902 : memref<480xf32, #tpu.memory_space<vmem>>[vector<16xi32>], vector<16xf32>,
    %get3A_909 = arith.constant 16 : index
    %get3A_910 = tpu.vector_load %arg12[%get3A_909] {strides = array<i32>} : memref<960xf32, #tpu.memory_space<vmem>>, vector<16xf32>,
    %get3A_911 = arith.constant 256 : index
    %get3A_912 = tpu.vector_load %arg12[%get3A_911] {strides = array<i32>} : memref<960xf32, #tpu.memory_space<vmem>>, vector<16xf32>,
    %add3A_913 = arith.constant 48 : i32
    %add3A_914 = vector.broadcast %add3A_913 : i32 to vector<16xi32>
    %add3A_915 = arith.addi %mul3A_13, %add3A_914 : vector<16xi32>
    %add3A_916 = arith.constant 0 : i32
    %add3A_917 = vector.broadcast %add3A_916 : i32 to vector<16xi32>
    %add3A_918 = arith.addi %add3A_915, %add3A_917 : vector<16xi32>
    %gather3A_919 = tpu.vector_load_idx %arg8[%add3A_918] : memref<480xf32, #tpu.memory_space<vmem>>[vector<16xi32>], vector<16xf32>,
    %add3A_920 = arith.addf %get3A_910, %get3A_912 : vector<16xf32>
    %mul3A_921 = arith.constant 5.000000e-01 : f32
    %mul3A_922 = vector.broadcast %mul3A_921 : f32 to vector<16xf32>
    %mul3A_923 = arith.mulf %add3A_920, %mul3A_922 : vector<16xf32>
    %get3A_924 = arith.constant 16 : index
    %get3A_925 = tpu.vector_load %arg9[%get3A_924] {strides = array<i32>} : memref<480xf32, #tpu.memory_space<vmem>>, vector<16xf32>,
    %add3A_926 = arith.addf %get3A_925, %mul3A_923 : vector<16xf32>
    %sub3A_927 = arith.subf %add3A_926, %gather3A_919 : vector<16xf32>
    %mul3A_928 = arith.mulf %sub3A_927, %get3A_883 : vector<16xf32>
    %add3A_929 = arith.constant 48 : i32
    %add3A_930 = vector.broadcast %add3A_929 : i32 to vector<16xi32>
    %add3A_931 = arith.addi %mul3A_13, %add3A_930 : vector<16xi32>
    %add3A_932 = arith.constant 0 : i32
    %add3A_933 = vector.broadcast %add3A_932 : i32 to vector<16xi32>
    %add3A_934 = arith.addi %add3A_931, %add3A_933 : vector<16xi32>
    tpu.vector_store_idx %arg13[%add3A_934], %mul3A_928 : memref<480xf32, #tpu.memory_space<vmem>>[vector<16xi32>], vector<16xf32>,
    %get3A_935 = arith.constant 32 : index
    %get3A_936 = tpu.vector_load %arg12[%get3A_935] {strides = array<i32>} : memref<960xf32, #tpu.memory_space<vmem>>, vector<16xf32>,
    %get3A_937 = arith.constant 272 : index
    %get3A_938 = tpu.vector_load %arg12[%get3A_937] {strides = array<i32>} : memref<960xf32, #tpu.memory_space<vmem>>, vector<16xf32>,
    %add3A_939 = arith.constant 96 : i32
    %add3A_940 = vector.broadcast %add3A_939 : i32 to vector<16xi32>
    %add3A_941 = arith.addi %mul3A_13, %add3A_940 : vector<16xi32>
    %add3A_942 = arith.constant 0 : i32
    %add3A_943 = vector.broadcast %add3A_942 : i32 to vector<16xi32>
    %add3A_944 = arith.addi %add3A_941, %add3A_943 : vector<16xi32>
    %gather3A_945 = tpu.vector_load_idx %arg8[%add3A_944] : memref<480xf32, #tpu.memory_space<vmem>>[vector<16xi32>], vector<16xf32>,
    %add3A_946 = arith.addf %get3A_936, %get3A_938 : vector<16xf32>
    %mul3A_947 = arith.constant 5.000000e-01 : f32
    %mul3A_948 = vector.broadcast %mul3A_947 : f32 to vector<16xf32>
    %mul3A_949 = arith.mulf %add3A_946, %mul3A_948 : vector<16xf32>
    %get3A_950 = arith.constant 32 : index
    %get3A_951 = tpu.vector_load %arg9[%get3A_950] {strides = array<i32>} : memref<480xf32, #tpu.memory_space<vmem>>, vector<16xf32>,
    %add3A_952 = arith.addf %get3A_951, %mul3A_949 : vector<16xf32>
    %sub3A_953 = arith.subf %add3A_952, %gather3A_945 : vector<16xf32>
    %mul3A_954 = arith.mulf %sub3A_953, %get3A_883 : vector<16xf32>
    %add3A_955 = arith.constant 96 : i32
    %add3A_956 = vector.broadcast %add3A_955 : i32 to vector<16xi32>
    %add3A_957 = arith.addi %mul3A_13, %add3A_956 : vector<16xi32>
    %add3A_958 = arith.constant 0 : i32
    %add3A_959 = vector.broadcast %add3A_958 : i32 to vector<16xi32>
    %add3A_960 = arith.addi %add3A_957, %add3A_959 : vector<16xi32>
    tpu.vector_store_idx %arg13[%add3A_960], %mul3A_954 : memref<480xf32, #tpu.memory_space<vmem>>[vector<16xi32>], vector<16xf32>,
    %get3A_961 = arith.constant 48 : index
    %get3A_962 = tpu.vector_load %arg12[%get3A_961] {strides = array<i32>} : memref<960xf32, #tpu.memory_space<vmem>>, vector<16xf32>,
    %get3A_963 = arith.constant 288 : index
    %get3A_964 = tpu.vector_load %arg12[%get3A_963] {strides = array<i32>} : memref<960xf32, #tpu.memory_space<vmem>>, vector<16xf32>,
    %add3A_965 = arith.constant 144 : i32
    %add3A_966 = vector.broadcast %add3A_965 : i32 to vector<16xi32>
    %add3A_967 = arith.addi %mul3A_13, %add3A_966 : vector<16xi32>
    %add3A_968 = arith.constant 0 : i32
    %add3A_969 = vector.broadcast %add3A_968 : i32 to vector<16xi32>
    %add3A_970 = arith.addi %add3A_967, %add3A_969 : vector<16xi32>
    %gather3A_971 = tpu.vector_load_idx %arg8[%add3A_970] : memref<480xf32, #tpu.memory_space<vmem>>[vector<16xi32>], vector<16xf32>,
    %add3A_972 = arith.addf %get3A_962, %get3A_964 : vector<16xf32>
    %mul3A_973 = arith.constant 5.000000e-01 : f32
    %mul3A_974 = vector.broadcast %mul3A_973 : f32 to vector<16xf32>
    %mul3A_975 = arith.mulf %add3A_972, %mul3A_974 : vector<16xf32>
    %get3A_976 = arith.constant 48 : index
    %get3A_977 = tpu.vector_load %arg9[%get3A_976] {strides = array<i32>} : memref<480xf32, #tpu.memory_space<vmem>>, vector<16xf32>,
    %add3A_978 = arith.addf %get3A_977, %mul3A_975 : vector<16xf32>
    %sub3A_979 = arith.subf %add3A_978, %gather3A_971 : vector<16xf32>
    %mul3A_980 = arith.mulf %sub3A_979, %get3A_883 : vector<16xf32>
    %add3A_981 = arith.constant 144 : i32
    %add3A_982 = vector.broadcast %add3A_981 : i32 to vector<16xi32>
    %add3A_983 = arith.addi %mul3A_13, %add3A_982 : vector<16xi32>
    %add3A_984 = arith.constant 0 : i32
    %add3A_985 = vector.broadcast %add3A_984 : i32 to vector<16xi32>
    %add3A_986 = arith.addi %add3A_983, %add3A_985 : vector<16xi32>
    tpu.vector_store_idx %arg13[%add3A_986], %mul3A_980 : memref<480xf32, #tpu.memory_space<vmem>>[vector<16xi32>], vector<16xf32>,
    %get3A_987 = arith.constant 64 : index
    %get3A_988 = tpu.vector_load %arg12[%get3A_987] {strides = array<i32>} : memref<960xf32, #tpu.memory_space<vmem>>, vector<16xf32>,
    %get3A_989 = arith.constant 304 : index
    %get3A_990 = tpu.vector_load %arg12[%get3A_989] {strides = array<i32>} : memref<960xf32, #tpu.memory_space<vmem>>, vector<16xf32>,
    %add3A_991 = arith.constant 192 : i32
    %add3A_992 = vector.broadcast %add3A_991 : i32 to vector<16xi32>
    %add3A_993 = arith.addi %mul3A_13, %add3A_992 : vector<16xi32>
    %add3A_994 = arith.constant 0 : i32
    %add3A_995 = vector.broadcast %add3A_994 : i32 to vector<16xi32>
    %add3A_996 = arith.addi %add3A_993, %add3A_995 : vector<16xi32>
    %gather3A_997 = tpu.vector_load_idx %arg8[%add3A_996] : memref<480xf32, #tpu.memory_space<vmem>>[vector<16xi32>], vector<16xf32>,
    %add3A_998 = arith.addf %get3A_988, %get3A_990 : vector<16xf32>
    %mul3A_999 = arith.constant 5.000000e-01 : f32
    %mul3A_1000 = vector.broadcast %mul3A_999 : f32 to vector<16xf32>
    %mul3A_1001 = arith.mulf %add3A_998, %mul3A_1000 : vector<16xf32>
    %get3A_1002 = arith.constant 64 : index
    %get3A_1003 = tpu.vector_load %arg9[%get3A_1002] {strides = array<i32>} : memref<480xf32, #tpu.memory_space<vmem>>, vector<16xf32>,
    %add3A_1004 = arith.addf %get3A_1003, %mul3A_1001 : vector<16xf32>
    %sub3A_1005 = arith.subf %add3A_1004, %gather3A_997 : vector<16xf32>
    %mul3A_1006 = arith.mulf %sub3A_1005, %get3A_883 : vector<16xf32>
    %add3A_1007 = arith.constant 192 : i32
    %add3A_1008 = vector.broadcast %add3A_1007 : i32 to vector<16xi32>
    %add3A_1009 = arith.addi %mul3A_13, %add3A_1008 : vector<16xi32>
    %add3A_1010 = arith.constant 0 : i32
    %add3A_1011 = vector.broadcast %add3A_1010 : i32 to vector<16xi32>
    %add3A_1012 = arith.addi %add3A_1009, %add3A_1011 : vector<16xi32>
    tpu.vector_store_idx %arg13[%add3A_1012], %mul3A_1006 : memref<480xf32, #tpu.memory_space<vmem>>[vector<16xi32>], vector<16xf32>,
    %get3A_1013 = arith.constant 480 : index
    %get3A_1014 = tpu.vector_load %arg12[%get3A_1013] {strides = array<i32>} : memref<960xf32, #tpu.memory_space<vmem>>, vector<16xf32>,
    %get3A_1015 = arith.constant 720 : index
    %get3A_1016 = tpu.vector_load %arg12[%get3A_1015] {strides = array<i32>} : memref<960xf32, #tpu.memory_space<vmem>>, vector<16xf32>,
    %add3A_1017 = arith.constant 240 : i32
    %add3A_1018 = vector.broadcast %add3A_1017 : i32 to vector<16xi32>
    %add3A_1019 = arith.addi %mul3A_13, %add3A_1018 : vector<16xi32>
    %add3A_1020 = arith.constant 0 : i32
    %add3A_1021 = vector.broadcast %add3A_1020 : i32 to vector<16xi32>
    %add3A_1022 = arith.addi %add3A_1019, %add3A_1021 : vector<16xi32>
    %gather3A_1023 = tpu.vector_load_idx %arg8[%add3A_1022] : memref<480xf32, #tpu.memory_space<vmem>>[vector<16xi32>], vector<16xf32>,
    %add3A_1024 = arith.addf %get3A_1014, %get3A_1016 : vector<16xf32>
    %mul3A_1025 = arith.constant 5.000000e-01 : f32
    %mul3A_1026 = vector.broadcast %mul3A_1025 : f32 to vector<16xf32>
    %mul3A_1027 = arith.mulf %add3A_1024, %mul3A_1026 : vector<16xf32>
    %get3A_1028 = arith.constant 80 : index
    %get3A_1029 = tpu.vector_load %arg9[%get3A_1028] {strides = array<i32>} : memref<480xf32, #tpu.memory_space<vmem>>, vector<16xf32>,
    %add3A_1030 = arith.addf %get3A_1029, %mul3A_1027 : vector<16xf32>
    %sub3A_1031 = arith.subf %add3A_1030, %gather3A_1023 : vector<16xf32>
    %mul3A_1032 = arith.mulf %sub3A_1031, %get3A_883 : vector<16xf32>
    %add3A_1033 = arith.constant 240 : i32
    %add3A_1034 = vector.broadcast %add3A_1033 : i32 to vector<16xi32>
    %add3A_1035 = arith.addi %mul3A_13, %add3A_1034 : vector<16xi32>
    %add3A_1036 = arith.constant 0 : i32
    %add3A_1037 = vector.broadcast %add3A_1036 : i32 to vector<16xi32>
    %add3A_1038 = arith.addi %add3A_1035, %add3A_1037 : vector<16xi32>
    tpu.vector_store_idx %arg13[%add3A_1038], %mul3A_1032 : memref<480xf32, #tpu.memory_space<vmem>>[vector<16xi32>], vector<16xf32>,
    %get3A_1039 = arith.constant 496 : index
    %get3A_1040 = tpu.vector_load %arg12[%get3A_1039] {strides = array<i32>} : memref<960xf32, #tpu.memory_space<vmem>>, vector<16xf32>,
    %get3A_1041 = arith.constant 736 : index
    %get3A_1042 = tpu.vector_load %arg12[%get3A_1041] {strides = array<i32>} : memref<960xf32, #tpu.memory_space<vmem>>, vector<16xf32>,
    %add3A_1043 = arith.constant 288 : i32
    %add3A_1044 = vector.broadcast %add3A_1043 : i32 to vector<16xi32>
    %add3A_1045 = arith.addi %mul3A_13, %add3A_1044 : vector<16xi32>
    %add3A_1046 = arith.constant 0 : i32
    %add3A_1047 = vector.broadcast %add3A_1046 : i32 to vector<16xi32>
    %add3A_1048 = arith.addi %add3A_1045, %add3A_1047 : vector<16xi32>
    %gather3A_1049 = tpu.vector_load_idx %arg8[%add3A_1048] : memref<480xf32, #tpu.memory_space<vmem>>[vector<16xi32>], vector<16xf32>,
    %add3A_1050 = arith.addf %get3A_1040, %get3A_1042 : vector<16xf32>
    %mul3A_1051 = arith.constant 5.000000e-01 : f32
    %mul3A_1052 = vector.broadcast %mul3A_1051 : f32 to vector<16xf32>
    %mul3A_1053 = arith.mulf %add3A_1050, %mul3A_1052 : vector<16xf32>
    %get3A_1054 = arith.constant 96 : index
    %get3A_1055 = tpu.vector_load %arg9[%get3A_1054] {strides = array<i32>} : memref<480xf32, #tpu.memory_space<vmem>>, vector<16xf32>,
    %add3A_1056 = arith.addf %get3A_1055, %mul3A_1053 : vector<16xf32>
    %sub3A_1057 = arith.subf %add3A_1056, %gather3A_1049 : vector<16xf32>
    %mul3A_1058 = arith.mulf %sub3A_1057, %get3A_883 : vector<16xf32>
    %add3A_1059 = arith.constant 288 : i32
    %add3A_1060 = vector.broadcast %add3A_1059 : i32 to vector<16xi32>
    %add3A_1061 = arith.addi %mul3A_13, %add3A_1060 : vector<16xi32>
    %add3A_1062 = arith.constant 0 : i32
    %add3A_1063 = vector.broadcast %add3A_1062 : i32 to vector<16xi32>
    %add3A_1064 = arith.addi %add3A_1061, %add3A_1063 : vector<16xi32>
    tpu.vector_store_idx %arg13[%add3A_1064], %mul3A_1058 : memref<480xf32, #tpu.memory_space<vmem>>[vector<16xi32>], vector<16xf32>,
    %get3A_1065 = arith.constant 512 : index
    %get3A_1066 = tpu.vector_load %arg12[%get3A_1065] {strides = array<i32>} : memref<960xf32, #tpu.memory_space<vmem>>, vector<16xf32>,
    %get3A_1067 = arith.constant 752 : index
    %get3A_1068 = tpu.vector_load %arg12[%get3A_1067] {strides = array<i32>} : memref<960xf32, #tpu.memory_space<vmem>>, vector<16xf32>,
    %add3A_1069 = arith.constant 336 : i32
    %add3A_1070 = vector.broadcast %add3A_1069 : i32 to vector<16xi32>
    %add3A_1071 = arith.addi %mul3A_13, %add3A_1070 : vector<16xi32>
    %add3A_1072 = arith.constant 0 : i32
    %add3A_1073 = vector.broadcast %add3A_1072 : i32 to vector<16xi32>
    %add3A_1074 = arith.addi %add3A_1071, %add3A_1073 : vector<16xi32>
    %gather3A_1075 = tpu.vector_load_idx %arg8[%add3A_1074] : memref<480xf32, #tpu.memory_space<vmem>>[vector<16xi32>], vector<16xf32>,
    %add3A_1076 = arith.addf %get3A_1066, %get3A_1068 : vector<16xf32>
    %mul3A_1077 = arith.constant 5.000000e-01 : f32
    %mul3A_1078 = vector.broadcast %mul3A_1077 : f32 to vector<16xf32>
    %mul3A_1079 = arith.mulf %add3A_1076, %mul3A_1078 : vector<16xf32>
    %get3A_1080 = arith.constant 112 : index
    %get3A_1081 = tpu.vector_load %arg9[%get3A_1080] {strides = array<i32>} : memref<480xf32, #tpu.memory_space<vmem>>, vector<16xf32>,
    %add3A_1082 = arith.addf %get3A_1081, %mul3A_1079 : vector<16xf32>
    %sub3A_1083 = arith.subf %add3A_1082, %gather3A_1075 : vector<16xf32>
    %mul3A_1084 = arith.mulf %sub3A_1083, %get3A_883 : vector<16xf32>
    %add3A_1085 = arith.constant 336 : i32
    %add3A_1086 = vector.broadcast %add3A_1085 : i32 to vector<16xi32>
    %add3A_1087 = arith.addi %mul3A_13, %add3A_1086 : vector<16xi32>
    %add3A_1088 = arith.constant 0 : i32
    %add3A_1089 = vector.broadcast %add3A_1088 : i32 to vector<16xi32>
    %add3A_1090 = arith.addi %add3A_1087, %add3A_1089 : vector<16xi32>
    tpu.vector_store_idx %arg13[%add3A_1090], %mul3A_1084 : memref<480xf32, #tpu.memory_space<vmem>>[vector<16xi32>], vector<16xf32>,
    %get3A_1091 = arith.constant 528 : index
    %get3A_1092 = tpu.vector_load %arg12[%get3A_1091] {strides = array<i32>} : memref<960xf32, #tpu.memory_space<vmem>>, vector<16xf32>,
    %get3A_1093 = arith.constant 768 : index
    %get3A_1094 = tpu.vector_load %arg12[%get3A_1093] {strides = array<i32>} : memref<960xf32, #tpu.memory_space<vmem>>, vector<16xf32>,
    %add3A_1095 = arith.constant 384 : i32
    %add3A_1096 = vector.broadcast %add3A_1095 : i32 to vector<16xi32>
    %add3A_1097 = arith.addi %mul3A_13, %add3A_1096 : vector<16xi32>
    %add3A_1098 = arith.constant 0 : i32
    %add3A_1099 = vector.broadcast %add3A_1098 : i32 to vector<16xi32>
    %add3A_1100 = arith.addi %add3A_1097, %add3A_1099 : vector<16xi32>
    %gather3A_1101 = tpu.vector_load_idx %arg8[%add3A_1100] : memref<480xf32, #tpu.memory_space<vmem>>[vector<16xi32>], vector<16xf32>,
    %add3A_1102 = arith.addf %get3A_1092, %get3A_1094 : vector<16xf32>
    %mul3A_1103 = arith.constant 5.000000e-01 : f32
    %mul3A_1104 = vector.broadcast %mul3A_1103 : f32 to vector<16xf32>
    %mul3A_1105 = arith.mulf %add3A_1102, %mul3A_1104 : vector<16xf32>
    %get3A_1106 = arith.constant 128 : index
    %get3A_1107 = tpu.vector_load %arg9[%get3A_1106] {strides = array<i32>} : memref<480xf32, #tpu.memory_space<vmem>>, vector<16xf32>,
    %add3A_1108 = arith.addf %get3A_1107, %mul3A_1105 : vector<16xf32>
    %sub3A_1109 = arith.subf %add3A_1108, %gather3A_1101 : vector<16xf32>
    %mul3A_1110 = arith.mulf %sub3A_1109, %get3A_883 : vector<16xf32>
    %add3A_1111 = arith.constant 384 : i32
    %add3A_1112 = vector.broadcast %add3A_1111 : i32 to vector<16xi32>
    %add3A_1113 = arith.addi %mul3A_13, %add3A_1112 : vector<16xi32>
    %add3A_1114 = arith.constant 0 : i32
    %add3A_1115 = vector.broadcast %add3A_1114 : i32 to vector<16xi32>
    %add3A_1116 = arith.addi %add3A_1113, %add3A_1115 : vector<16xi32>
    tpu.vector_store_idx %arg13[%add3A_1116], %mul3A_1110 : memref<480xf32, #tpu.memory_space<vmem>>[vector<16xi32>], vector<16xf32>,
    %get3A_1117 = arith.constant 544 : index
    %get3A_1118 = tpu.vector_load %arg12[%get3A_1117] {strides = array<i32>} : memref<960xf32, #tpu.memory_space<vmem>>, vector<16xf32>,
    %get3A_1119 = arith.constant 784 : index
    %get3A_1120 = tpu.vector_load %arg12[%get3A_1119] {strides = array<i32>} : memref<960xf32, #tpu.memory_space<vmem>>, vector<16xf32>,
    %add3A_1121 = arith.constant 432 : i32
    %add3A_1122 = vector.broadcast %add3A_1121 : i32 to vector<16xi32>
    %add3A_1123 = arith.addi %mul3A_13, %add3A_1122 : vector<16xi32>
    %add3A_1124 = arith.constant 0 : i32
    %add3A_1125 = vector.broadcast %add3A_1124 : i32 to vector<16xi32>
    %add3A_1126 = arith.addi %add3A_1123, %add3A_1125 : vector<16xi32>
    %gather3A_1127 = tpu.vector_load_idx %arg8[%add3A_1126] : memref<480xf32, #tpu.memory_space<vmem>>[vector<16xi32>], vector<16xf32>,
    %add3A_1128 = arith.addf %get3A_1118, %get3A_1120 : vector<16xf32>
    %mul3A_1129 = arith.constant 5.000000e-01 : f32
    %mul3A_1130 = vector.broadcast %mul3A_1129 : f32 to vector<16xf32>
    %mul3A_1131 = arith.mulf %add3A_1128, %mul3A_1130 : vector<16xf32>
    %get3A_1132 = arith.constant 144 : index
    %get3A_1133 = tpu.vector_load %arg9[%get3A_1132] {strides = array<i32>} : memref<480xf32, #tpu.memory_space<vmem>>, vector<16xf32>,
    %add3A_1134 = arith.addf %get3A_1133, %mul3A_1131 : vector<16xf32>
    %sub3A_1135 = arith.subf %add3A_1134, %gather3A_1127 : vector<16xf32>
    %mul3A_1136 = arith.mulf %sub3A_1135, %get3A_883 : vector<16xf32>
    %add3A_1137 = arith.constant 432 : i32
    %add3A_1138 = vector.broadcast %add3A_1137 : i32 to vector<16xi32>
    %add3A_1139 = arith.addi %mul3A_13, %add3A_1138 : vector<16xi32>
    %add3A_1140 = arith.constant 0 : i32
    %add3A_1141 = vector.broadcast %add3A_1140 : i32 to vector<16xi32>
    %add3A_1142 = arith.addi %add3A_1139, %add3A_1141 : vector<16xi32>
    tpu.vector_store_idx %arg13[%add3A_1142], %mul3A_1136 : memref<480xf32, #tpu.memory_space<vmem>>[vector<16xi32>], vector<16xf32>,
    %get3A_1143 = arith.constant 16 : index
    %get3A_1144 = tpu.vector_load %arg10[%get3A_1143] {strides = array<i32>} : memref<128xf32, #tpu.memory_space<vmem>>, vector<16xf32>,
    %get3A_1145 = arith.constant 80 : index
    %get3A_1146 = tpu.vector_load %arg12[%get3A_1145] {strides = array<i32>} : memref<960xf32, #tpu.memory_space<vmem>>, vector<16xf32>,
    %get3A_1147 = arith.constant 320 : index
    %get3A_1148 = tpu.vector_load %arg12[%get3A_1147] {strides = array<i32>} : memref<960xf32, #tpu.memory_space<vmem>>, vector<16xf32>,
    %add3A_1149 = arith.constant 0 : i32
    %add3A_1150 = vector.broadcast %add3A_1149 : i32 to vector<16xi32>
    %add3A_1151 = arith.addi %mul3A_13, %add3A_1150 : vector<16xi32>
    %add3A_1152 = arith.constant 1 : i32
    %add3A_1153 = vector.broadcast %add3A_1152 : i32 to vector<16xi32>
    %add3A_1154 = arith.addi %add3A_1151, %add3A_1153 : vector<16xi32>
    %gather3A_1155 = tpu.vector_load_idx %arg8[%add3A_1154] : memref<480xf32, #tpu.memory_space<vmem>>[vector<16xi32>], vector<16xf32>,
    %add3A_1156 = arith.addf %get3A_1146, %get3A_1148 : vector<16xf32>
    %mul3A_1157 = arith.constant 5.000000e-01 : f32
    %mul3A_1158 = vector.broadcast %mul3A_1157 : f32 to vector<16xf32>
    %mul3A_1159 = arith.mulf %add3A_1156, %mul3A_1158 : vector<16xf32>
    %get3A_1160 = arith.constant 160 : index
    %get3A_1161 = tpu.vector_load %arg9[%get3A_1160] {strides = array<i32>} : memref<480xf32, #tpu.memory_space<vmem>>, vector<16xf32>,
    %add3A_1162 = arith.addf %get3A_1161, %mul3A_1159 : vector<16xf32>
    %sub3A_1163 = arith.subf %add3A_1162, %gather3A_1155 : vector<16xf32>
    %mul3A_1164 = arith.mulf %sub3A_1163, %get3A_1144 : vector<16xf32>
    %add3A_1165 = arith.constant 0 : i32
    %add3A_1166 = vector.broadcast %add3A_1165 : i32 to vector<16xi32>
    %add3A_1167 = arith.addi %mul3A_13, %add3A_1166 : vector<16xi32>
    %add3A_1168 = arith.constant 1 : i32
    %add3A_1169 = vector.broadcast %add3A_1168 : i32 to vector<16xi32>
    %add3A_1170 = arith.addi %add3A_1167, %add3A_1169 : vector<16xi32>
    tpu.vector_store_idx %arg13[%add3A_1170], %mul3A_1164 : memref<480xf32, #tpu.memory_space<vmem>>[vector<16xi32>], vector<16xf32>,
    %get3A_1171 = arith.constant 96 : index
    %get3A_1172 = tpu.vector_load %arg12[%get3A_1171] {strides = array<i32>} : memref<960xf32, #tpu.memory_space<vmem>>, vector<16xf32>,
    %get3A_1173 = arith.constant 336 : index
    %get3A_1174 = tpu.vector_load %arg12[%get3A_1173] {strides = array<i32>} : memref<960xf32, #tpu.memory_space<vmem>>, vector<16xf32>,
    %add3A_1175 = arith.constant 48 : i32
    %add3A_1176 = vector.broadcast %add3A_1175 : i32 to vector<16xi32>
    %add3A_1177 = arith.addi %mul3A_13, %add3A_1176 : vector<16xi32>
    %add3A_1178 = arith.constant 1 : i32
    %add3A_1179 = vector.broadcast %add3A_1178 : i32 to vector<16xi32>
    %add3A_1180 = arith.addi %add3A_1177, %add3A_1179 : vector<16xi32>
    %gather3A_1181 = tpu.vector_load_idx %arg8[%add3A_1180] : memref<480xf32, #tpu.memory_space<vmem>>[vector<16xi32>], vector<16xf32>,
    %add3A_1182 = arith.addf %get3A_1172, %get3A_1174 : vector<16xf32>
    %mul3A_1183 = arith.constant 5.000000e-01 : f32
    %mul3A_1184 = vector.broadcast %mul3A_1183 : f32 to vector<16xf32>
    %mul3A_1185 = arith.mulf %add3A_1182, %mul3A_1184 : vector<16xf32>
    %get3A_1186 = arith.constant 176 : index
    %get3A_1187 = tpu.vector_load %arg9[%get3A_1186] {strides = array<i32>} : memref<480xf32, #tpu.memory_space<vmem>>, vector<16xf32>,
    %add3A_1188 = arith.addf %get3A_1187, %mul3A_1185 : vector<16xf32>
    %sub3A_1189 = arith.subf %add3A_1188, %gather3A_1181 : vector<16xf32>
    %mul3A_1190 = arith.mulf %sub3A_1189, %get3A_1144 : vector<16xf32>
    %add3A_1191 = arith.constant 48 : i32
    %add3A_1192 = vector.broadcast %add3A_1191 : i32 to vector<16xi32>
    %add3A_1193 = arith.addi %mul3A_13, %add3A_1192 : vector<16xi32>
    %add3A_1194 = arith.constant 1 : i32
    %add3A_1195 = vector.broadcast %add3A_1194 : i32 to vector<16xi32>
    %add3A_1196 = arith.addi %add3A_1193, %add3A_1195 : vector<16xi32>
    tpu.vector_store_idx %arg13[%add3A_1196], %mul3A_1190 : memref<480xf32, #tpu.memory_space<vmem>>[vector<16xi32>], vector<16xf32>,
    %get3A_1197 = arith.constant 112 : index
    %get3A_1198 = tpu.vector_load %arg12[%get3A_1197] {strides = array<i32>} : memref<960xf32, #tpu.memory_space<vmem>>, vector<16xf32>,
    %get3A_1199 = arith.constant 352 : index
    %get3A_1200 = tpu.vector_load %arg12[%get3A_1199] {strides = array<i32>} : memref<960xf32, #tpu.memory_space<vmem>>, vector<16xf32>,
    %add3A_1201 = arith.constant 96 : i32
    %add3A_1202 = vector.broadcast %add3A_1201 : i32 to vector<16xi32>
    %add3A_1203 = arith.addi %mul3A_13, %add3A_1202 : vector<16xi32>
    %add3A_1204 = arith.constant 1 : i32
    %add3A_1205 = vector.broadcast %add3A_1204 : i32 to vector<16xi32>
    %add3A_1206 = arith.addi %add3A_1203, %add3A_1205 : vector<16xi32>
    %gather3A_1207 = tpu.vector_load_idx %arg8[%add3A_1206] : memref<480xf32, #tpu.memory_space<vmem>>[vector<16xi32>], vector<16xf32>,
    %add3A_1208 = arith.addf %get3A_1198, %get3A_1200 : vector<16xf32>
    %mul3A_1209 = arith.constant 5.000000e-01 : f32
    %mul3A_1210 = vector.broadcast %mul3A_1209 : f32 to vector<16xf32>
    %mul3A_1211 = arith.mulf %add3A_1208, %mul3A_1210 : vector<16xf32>
    %get3A_1212 = arith.constant 192 : index
    %get3A_1213 = tpu.vector_load %arg9[%get3A_1212] {strides = array<i32>} : memref<480xf32, #tpu.memory_space<vmem>>, vector<16xf32>,
    %add3A_1214 = arith.addf %get3A_1213, %mul3A_1211 : vector<16xf32>
    %sub3A_1215 = arith.subf %add3A_1214, %gather3A_1207 : vector<16xf32>
    %mul3A_1216 = arith.mulf %sub3A_1215, %get3A_1144 : vector<16xf32>
    %add3A_1217 = arith.constant 96 : i32
    %add3A_1218 = vector.broadcast %add3A_1217 : i32 to vector<16xi32>
    %add3A_1219 = arith.addi %mul3A_13, %add3A_1218 : vector<16xi32>
    %add3A_1220 = arith.constant 1 : i32
    %add3A_1221 = vector.broadcast %add3A_1220 : i32 to vector<16xi32>
    %add3A_1222 = arith.addi %add3A_1219, %add3A_1221 : vector<16xi32>
    tpu.vector_store_idx %arg13[%add3A_1222], %mul3A_1216 : memref<480xf32, #tpu.memory_space<vmem>>[vector<16xi32>], vector<16xf32>,
    %get3A_1223 = arith.constant 128 : index
    %get3A_1224 = tpu.vector_load %arg12[%get3A_1223] {strides = array<i32>} : memref<960xf32, #tpu.memory_space<vmem>>, vector<16xf32>,
    %get3A_1225 = arith.constant 368 : index
    %get3A_1226 = tpu.vector_load %arg12[%get3A_1225] {strides = array<i32>} : memref<960xf32, #tpu.memory_space<vmem>>, vector<16xf32>,
    %add3A_1227 = arith.constant 144 : i32
    %add3A_1228 = vector.broadcast %add3A_1227 : i32 to vector<16xi32>
    %add3A_1229 = arith.addi %mul3A_13, %add3A_1228 : vector<16xi32>
    %add3A_1230 = arith.constant 1 : i32
    %add3A_1231 = vector.broadcast %add3A_1230 : i32 to vector<16xi32>
    %add3A_1232 = arith.addi %add3A_1229, %add3A_1231 : vector<16xi32>
    %gather3A_1233 = tpu.vector_load_idx %arg8[%add3A_1232] : memref<480xf32, #tpu.memory_space<vmem>>[vector<16xi32>], vector<16xf32>,
    %add3A_1234 = arith.addf %get3A_1224, %get3A_1226 : vector<16xf32>
    %mul3A_1235 = arith.constant 5.000000e-01 : f32
    %mul3A_1236 = vector.broadcast %mul3A_1235 : f32 to vector<16xf32>
    %mul3A_1237 = arith.mulf %add3A_1234, %mul3A_1236 : vector<16xf32>
    %get3A_1238 = arith.constant 208 : index
    %get3A_1239 = tpu.vector_load %arg9[%get3A_1238] {strides = array<i32>} : memref<480xf32, #tpu.memory_space<vmem>>, vector<16xf32>,
    %add3A_1240 = arith.addf %get3A_1239, %mul3A_1237 : vector<16xf32>
    %sub3A_1241 = arith.subf %add3A_1240, %gather3A_1233 : vector<16xf32>
    %mul3A_1242 = arith.mulf %sub3A_1241, %get3A_1144 : vector<16xf32>
    %add3A_1243 = arith.constant 144 : i32
    %add3A_1244 = vector.broadcast %add3A_1243 : i32 to vector<16xi32>
    %add3A_1245 = arith.addi %mul3A_13, %add3A_1244 : vector<16xi32>
    %add3A_1246 = arith.constant 1 : i32
    %add3A_1247 = vector.broadcast %add3A_1246 : i32 to vector<16xi32>
    %add3A_1248 = arith.addi %add3A_1245, %add3A_1247 : vector<16xi32>
    tpu.vector_store_idx %arg13[%add3A_1248], %mul3A_1242 : memref<480xf32, #tpu.memory_space<vmem>>[vector<16xi32>], vector<16xf32>,
    %get3A_1249 = arith.constant 144 : index
    %get3A_1250 = tpu.vector_load %arg12[%get3A_1249] {strides = array<i32>} : memref<960xf32, #tpu.memory_space<vmem>>, vector<16xf32>,
    %get3A_1251 = arith.constant 384 : index
    %get3A_1252 = tpu.vector_load %arg12[%get3A_1251] {strides = array<i32>} : memref<960xf32, #tpu.memory_space<vmem>>, vector<16xf32>,
    %add3A_1253 = arith.constant 192 : i32
    %add3A_1254 = vector.broadcast %add3A_1253 : i32 to vector<16xi32>
    %add3A_1255 = arith.addi %mul3A_13, %add3A_1254 : vector<16xi32>
    %add3A_1256 = arith.constant 1 : i32
    %add3A_1257 = vector.broadcast %add3A_1256 : i32 to vector<16xi32>
    %add3A_1258 = arith.addi %add3A_1255, %add3A_1257 : vector<16xi32>
    %gather3A_1259 = tpu.vector_load_idx %arg8[%add3A_1258] : memref<480xf32, #tpu.memory_space<vmem>>[vector<16xi32>], vector<16xf32>,
    %add3A_1260 = arith.addf %get3A_1250, %get3A_1252 : vector<16xf32>
    %mul3A_1261 = arith.constant 5.000000e-01 : f32
    %mul3A_1262 = vector.broadcast %mul3A_1261 : f32 to vector<16xf32>
    %mul3A_1263 = arith.mulf %add3A_1260, %mul3A_1262 : vector<16xf32>
    %get3A_1264 = arith.constant 224 : index
    %get3A_1265 = tpu.vector_load %arg9[%get3A_1264] {strides = array<i32>} : memref<480xf32, #tpu.memory_space<vmem>>, vector<16xf32>,
    %add3A_1266 = arith.addf %get3A_1265, %mul3A_1263 : vector<16xf32>
    %sub3A_1267 = arith.subf %add3A_1266, %gather3A_1259 : vector<16xf32>
    %mul3A_1268 = arith.mulf %sub3A_1267, %get3A_1144 : vector<16xf32>
    %add3A_1269 = arith.constant 192 : i32
    %add3A_1270 = vector.broadcast %add3A_1269 : i32 to vector<16xi32>
    %add3A_1271 = arith.addi %mul3A_13, %add3A_1270 : vector<16xi32>
    %add3A_1272 = arith.constant 1 : i32
    %add3A_1273 = vector.broadcast %add3A_1272 : i32 to vector<16xi32>
    %add3A_1274 = arith.addi %add3A_1271, %add3A_1273 : vector<16xi32>
    tpu.vector_store_idx %arg13[%add3A_1274], %mul3A_1268 : memref<480xf32, #tpu.memory_space<vmem>>[vector<16xi32>], vector<16xf32>,
    %get3A_1275 = arith.constant 560 : index
    %get3A_1276 = tpu.vector_load %arg12[%get3A_1275] {strides = array<i32>} : memref<960xf32, #tpu.memory_space<vmem>>, vector<16xf32>,
    %get3A_1277 = arith.constant 800 : index
    %get3A_1278 = tpu.vector_load %arg12[%get3A_1277] {strides = array<i32>} : memref<960xf32, #tpu.memory_space<vmem>>, vector<16xf32>,
    %add3A_1279 = arith.constant 240 : i32
    %add3A_1280 = vector.broadcast %add3A_1279 : i32 to vector<16xi32>
    %add3A_1281 = arith.addi %mul3A_13, %add3A_1280 : vector<16xi32>
    %add3A_1282 = arith.constant 1 : i32
    %add3A_1283 = vector.broadcast %add3A_1282 : i32 to vector<16xi32>
    %add3A_1284 = arith.addi %add3A_1281, %add3A_1283 : vector<16xi32>
    %gather3A_1285 = tpu.vector_load_idx %arg8[%add3A_1284] : memref<480xf32, #tpu.memory_space<vmem>>[vector<16xi32>], vector<16xf32>,
    %add3A_1286 = arith.addf %get3A_1276, %get3A_1278 : vector<16xf32>
    %mul3A_1287 = arith.constant 5.000000e-01 : f32
    %mul3A_1288 = vector.broadcast %mul3A_1287 : f32 to vector<16xf32>
    %mul3A_1289 = arith.mulf %add3A_1286, %mul3A_1288 : vector<16xf32>
    %get3A_1290 = arith.constant 240 : index
    %get3A_1291 = tpu.vector_load %arg9[%get3A_1290] {strides = array<i32>} : memref<480xf32, #tpu.memory_space<vmem>>, vector<16xf32>,
    %add3A_1292 = arith.addf %get3A_1291, %mul3A_1289 : vector<16xf32>
    %sub3A_1293 = arith.subf %add3A_1292, %gather3A_1285 : vector<16xf32>
    %mul3A_1294 = arith.mulf %sub3A_1293, %get3A_1144 : vector<16xf32>
    %add3A_1295 = arith.constant 240 : i32
    %add3A_1296 = vector.broadcast %add3A_1295 : i32 to vector<16xi32>
    %add3A_1297 = arith.addi %mul3A_13, %add3A_1296 : vector<16xi32>
    %add3A_1298 = arith.constant 1 : i32
    %add3A_1299 = vector.broadcast %add3A_1298 : i32 to vector<16xi32>
    %add3A_1300 = arith.addi %add3A_1297, %add3A_1299 : vector<16xi32>
    tpu.vector_store_idx %arg13[%add3A_1300], %mul3A_1294 : memref<480xf32, #tpu.memory_space<vmem>>[vector<16xi32>], vector<16xf32>,
    %get3A_1301 = arith.constant 576 : index
    %get3A_1302 = tpu.vector_load %arg12[%get3A_1301] {strides = array<i32>} : memref<960xf32, #tpu.memory_space<vmem>>, vector<16xf32>,
    %get3A_1303 = arith.constant 816 : index
    %get3A_1304 = tpu.vector_load %arg12[%get3A_1303] {strides = array<i32>} : memref<960xf32, #tpu.memory_space<vmem>>, vector<16xf32>,
    %add3A_1305 = arith.constant 288 : i32
    %add3A_1306 = vector.broadcast %add3A_1305 : i32 to vector<16xi32>
    %add3A_1307 = arith.addi %mul3A_13, %add3A_1306 : vector<16xi32>
    %add3A_1308 = arith.constant 1 : i32
    %add3A_1309 = vector.broadcast %add3A_1308 : i32 to vector<16xi32>
    %add3A_1310 = arith.addi %add3A_1307, %add3A_1309 : vector<16xi32>
    %gather3A_1311 = tpu.vector_load_idx %arg8[%add3A_1310] : memref<480xf32, #tpu.memory_space<vmem>>[vector<16xi32>], vector<16xf32>,
    %add3A_1312 = arith.addf %get3A_1302, %get3A_1304 : vector<16xf32>
    %mul3A_1313 = arith.constant 5.000000e-01 : f32
    %mul3A_1314 = vector.broadcast %mul3A_1313 : f32 to vector<16xf32>
    %mul3A_1315 = arith.mulf %add3A_1312, %mul3A_1314 : vector<16xf32>
    %get3A_1316 = arith.constant 256 : index
    %get3A_1317 = tpu.vector_load %arg9[%get3A_1316] {strides = array<i32>} : memref<480xf32, #tpu.memory_space<vmem>>, vector<16xf32>,
    %add3A_1318 = arith.addf %get3A_1317, %mul3A_1315 : vector<16xf32>
    %sub3A_1319 = arith.subf %add3A_1318, %gather3A_1311 : vector<16xf32>
    %mul3A_1320 = arith.mulf %sub3A_1319, %get3A_1144 : vector<16xf32>
    %add3A_1321 = arith.constant 288 : i32
    %add3A_1322 = vector.broadcast %add3A_1321 : i32 to vector<16xi32>
    %add3A_1323 = arith.addi %mul3A_13, %add3A_1322 : vector<16xi32>
    %add3A_1324 = arith.constant 1 : i32
    %add3A_1325 = vector.broadcast %add3A_1324 : i32 to vector<16xi32>
    %add3A_1326 = arith.addi %add3A_1323, %add3A_1325 : vector<16xi32>
    tpu.vector_store_idx %arg13[%add3A_1326], %mul3A_1320 : memref<480xf32, #tpu.memory_space<vmem>>[vector<16xi32>], vector<16xf32>,
    %get3A_1327 = arith.constant 592 : index
    %get3A_1328 = tpu.vector_load %arg12[%get3A_1327] {strides = array<i32>} : memref<960xf32, #tpu.memory_space<vmem>>, vector<16xf32>,
    %get3A_1329 = arith.constant 832 : index
    %get3A_1330 = tpu.vector_load %arg12[%get3A_1329] {strides = array<i32>} : memref<960xf32, #tpu.memory_space<vmem>>, vector<16xf32>,
    %add3A_1331 = arith.constant 336 : i32
    %add3A_1332 = vector.broadcast %add3A_1331 : i32 to vector<16xi32>
    %add3A_1333 = arith.addi %mul3A_13, %add3A_1332 : vector<16xi32>
    %add3A_1334 = arith.constant 1 : i32
    %add3A_1335 = vector.broadcast %add3A_1334 : i32 to vector<16xi32>
    %add3A_1336 = arith.addi %add3A_1333, %add3A_1335 : vector<16xi32>
    %gather3A_1337 = tpu.vector_load_idx %arg8[%add3A_1336] : memref<480xf32, #tpu.memory_space<vmem>>[vector<16xi32>], vector<16xf32>,
    %add3A_1338 = arith.addf %get3A_1328, %get3A_1330 : vector<16xf32>
    %mul3A_1339 = arith.constant 5.000000e-01 : f32
    %mul3A_1340 = vector.broadcast %mul3A_1339 : f32 to vector<16xf32>
    %mul3A_1341 = arith.mulf %add3A_1338, %mul3A_1340 : vector<16xf32>
    %get3A_1342 = arith.constant 272 : index
    %get3A_1343 = tpu.vector_load %arg9[%get3A_1342] {strides = array<i32>} : memref<480xf32, #tpu.memory_space<vmem>>, vector<16xf32>,
    %add3A_1344 = arith.addf %get3A_1343, %mul3A_1341 : vector<16xf32>
    %sub3A_1345 = arith.subf %add3A_1344, %gather3A_1337 : vector<16xf32>
    %mul3A_1346 = arith.mulf %sub3A_1345, %get3A_1144 : vector<16xf32>
    %add3A_1347 = arith.constant 336 : i32
    %add3A_1348 = vector.broadcast %add3A_1347 : i32 to vector<16xi32>
    %add3A_1349 = arith.addi %mul3A_13, %add3A_1348 : vector<16xi32>
    %add3A_1350 = arith.constant 1 : i32
    %add3A_1351 = vector.broadcast %add3A_1350 : i32 to vector<16xi32>
    %add3A_1352 = arith.addi %add3A_1349, %add3A_1351 : vector<16xi32>
    tpu.vector_store_idx %arg13[%add3A_1352], %mul3A_1346 : memref<480xf32, #tpu.memory_space<vmem>>[vector<16xi32>], vector<16xf32>,
    %get3A_1353 = arith.constant 608 : index
    %get3A_1354 = tpu.vector_load %arg12[%get3A_1353] {strides = array<i32>} : memref<960xf32, #tpu.memory_space<vmem>>, vector<16xf32>,
    %get3A_1355 = arith.constant 848 : index
    %get3A_1356 = tpu.vector_load %arg12[%get3A_1355] {strides = array<i32>} : memref<960xf32, #tpu.memory_space<vmem>>, vector<16xf32>,
    %add3A_1357 = arith.constant 384 : i32
    %add3A_1358 = vector.broadcast %add3A_1357 : i32 to vector<16xi32>
    %add3A_1359 = arith.addi %mul3A_13, %add3A_1358 : vector<16xi32>
    %add3A_1360 = arith.constant 1 : i32
    %add3A_1361 = vector.broadcast %add3A_1360 : i32 to vector<16xi32>
    %add3A_1362 = arith.addi %add3A_1359, %add3A_1361 : vector<16xi32>
    %gather3A_1363 = tpu.vector_load_idx %arg8[%add3A_1362] : memref<480xf32, #tpu.memory_space<vmem>>[vector<16xi32>], vector<16xf32>,
    %add3A_1364 = arith.addf %get3A_1354, %get3A_1356 : vector<16xf32>
    %mul3A_1365 = arith.constant 5.000000e-01 : f32
    %mul3A_1366 = vector.broadcast %mul3A_1365 : f32 to vector<16xf32>
    %mul3A_1367 = arith.mulf %add3A_1364, %mul3A_1366 : vector<16xf32>
    %get3A_1368 = arith.constant 288 : index
    %get3A_1369 = tpu.vector_load %arg9[%get3A_1368] {strides = array<i32>} : memref<480xf32, #tpu.memory_space<vmem>>, vector<16xf32>,
    %add3A_1370 = arith.addf %get3A_1369, %mul3A_1367 : vector<16xf32>
    %sub3A_1371 = arith.subf %add3A_1370, %gather3A_1363 : vector<16xf32>
    %mul3A_1372 = arith.mulf %sub3A_1371, %get3A_1144 : vector<16xf32>
    %add3A_1373 = arith.constant 384 : i32
    %add3A_1374 = vector.broadcast %add3A_1373 : i32 to vector<16xi32>
    %add3A_1375 = arith.addi %mul3A_13, %add3A_1374 : vector<16xi32>
    %add3A_1376 = arith.constant 1 : i32
    %add3A_1377 = vector.broadcast %add3A_1376 : i32 to vector<16xi32>
    %add3A_1378 = arith.addi %add3A_1375, %add3A_1377 : vector<16xi32>
    tpu.vector_store_idx %arg13[%add3A_1378], %mul3A_1372 : memref<480xf32, #tpu.memory_space<vmem>>[vector<16xi32>], vector<16xf32>,
    %get3A_1379 = arith.constant 624 : index
    %get3A_1380 = tpu.vector_load %arg12[%get3A_1379] {strides = array<i32>} : memref<960xf32, #tpu.memory_space<vmem>>, vector<16xf32>,
    %get3A_1381 = arith.constant 864 : index
    %get3A_1382 = tpu.vector_load %arg12[%get3A_1381] {strides = array<i32>} : memref<960xf32, #tpu.memory_space<vmem>>, vector<16xf32>,
    %add3A_1383 = arith.constant 432 : i32
    %add3A_1384 = vector.broadcast %add3A_1383 : i32 to vector<16xi32>
    %add3A_1385 = arith.addi %mul3A_13, %add3A_1384 : vector<16xi32>
    %add3A_1386 = arith.constant 1 : i32
    %add3A_1387 = vector.broadcast %add3A_1386 : i32 to vector<16xi32>
    %add3A_1388 = arith.addi %add3A_1385, %add3A_1387 : vector<16xi32>
    %gather3A_1389 = tpu.vector_load_idx %arg8[%add3A_1388] : memref<480xf32, #tpu.memory_space<vmem>>[vector<16xi32>], vector<16xf32>,
    %add3A_1390 = arith.addf %get3A_1380, %get3A_1382 : vector<16xf32>
    %mul3A_1391 = arith.constant 5.000000e-01 : f32
    %mul3A_1392 = vector.broadcast %mul3A_1391 : f32 to vector<16xf32>
    %mul3A_1393 = arith.mulf %add3A_1390, %mul3A_1392 : vector<16xf32>
    %get3A_1394 = arith.constant 304 : index
    %get3A_1395 = tpu.vector_load %arg9[%get3A_1394] {strides = array<i32>} : memref<480xf32, #tpu.memory_space<vmem>>, vector<16xf32>,
    %add3A_1396 = arith.addf %get3A_1395, %mul3A_1393 : vector<16xf32>
    %sub3A_1397 = arith.subf %add3A_1396, %gather3A_1389 : vector<16xf32>
    %mul3A_1398 = arith.mulf %sub3A_1397, %get3A_1144 : vector<16xf32>
    %add3A_1399 = arith.constant 432 : i32
    %add3A_1400 = vector.broadcast %add3A_1399 : i32 to vector<16xi32>
    %add3A_1401 = arith.addi %mul3A_13, %add3A_1400 : vector<16xi32>
    %add3A_1402 = arith.constant 1 : i32
    %add3A_1403 = vector.broadcast %add3A_1402 : i32 to vector<16xi32>
    %add3A_1404 = arith.addi %add3A_1401, %add3A_1403 : vector<16xi32>
    tpu.vector_store_idx %arg13[%add3A_1404], %mul3A_1398 : memref<480xf32, #tpu.memory_space<vmem>>[vector<16xi32>], vector<16xf32>,
    %get3A_1405 = arith.constant 32 : index
    %get3A_1406 = tpu.vector_load %arg10[%get3A_1405] {strides = array<i32>} : memref<128xf32, #tpu.memory_space<vmem>>, vector<16xf32>,
    %get3A_1407 = arith.constant 160 : index
    %get3A_1408 = tpu.vector_load %arg12[%get3A_1407] {strides = array<i32>} : memref<960xf32, #tpu.memory_space<vmem>>, vector<16xf32>,
    %get3A_1409 = arith.constant 400 : index
    %get3A_1410 = tpu.vector_load %arg12[%get3A_1409] {strides = array<i32>} : memref<960xf32, #tpu.memory_space<vmem>>, vector<16xf32>,
    %add3A_1411 = arith.constant 0 : i32
    %add3A_1412 = vector.broadcast %add3A_1411 : i32 to vector<16xi32>
    %add3A_1413 = arith.addi %mul3A_13, %add3A_1412 : vector<16xi32>
    %add3A_1414 = arith.constant 2 : i32
    %add3A_1415 = vector.broadcast %add3A_1414 : i32 to vector<16xi32>
    %add3A_1416 = arith.addi %add3A_1413, %add3A_1415 : vector<16xi32>
    %gather3A_1417 = tpu.vector_load_idx %arg8[%add3A_1416] : memref<480xf32, #tpu.memory_space<vmem>>[vector<16xi32>], vector<16xf32>,
    %add3A_1418 = arith.addf %get3A_1408, %get3A_1410 : vector<16xf32>
    %mul3A_1419 = arith.constant 5.000000e-01 : f32
    %mul3A_1420 = vector.broadcast %mul3A_1419 : f32 to vector<16xf32>
    %mul3A_1421 = arith.mulf %add3A_1418, %mul3A_1420 : vector<16xf32>
    %get3A_1422 = arith.constant 320 : index
    %get3A_1423 = tpu.vector_load %arg9[%get3A_1422] {strides = array<i32>} : memref<480xf32, #tpu.memory_space<vmem>>, vector<16xf32>,
    %add3A_1424 = arith.addf %get3A_1423, %mul3A_1421 : vector<16xf32>
    %sub3A_1425 = arith.subf %add3A_1424, %gather3A_1417 : vector<16xf32>
    %mul3A_1426 = arith.mulf %sub3A_1425, %get3A_1406 : vector<16xf32>
    %add3A_1427 = arith.constant 0 : i32
    %add3A_1428 = vector.broadcast %add3A_1427 : i32 to vector<16xi32>
    %add3A_1429 = arith.addi %mul3A_13, %add3A_1428 : vector<16xi32>
    %add3A_1430 = arith.constant 2 : i32
    %add3A_1431 = vector.broadcast %add3A_1430 : i32 to vector<16xi32>
    %add3A_1432 = arith.addi %add3A_1429, %add3A_1431 : vector<16xi32>
    tpu.vector_store_idx %arg13[%add3A_1432], %mul3A_1426 : memref<480xf32, #tpu.memory_space<vmem>>[vector<16xi32>], vector<16xf32>,
    %get3A_1433 = arith.constant 176 : index
    %get3A_1434 = tpu.vector_load %arg12[%get3A_1433] {strides = array<i32>} : memref<960xf32, #tpu.memory_space<vmem>>, vector<16xf32>,
    %get3A_1435 = arith.constant 416 : index
    %get3A_1436 = tpu.vector_load %arg12[%get3A_1435] {strides = array<i32>} : memref<960xf32, #tpu.memory_space<vmem>>, vector<16xf32>,
    %add3A_1437 = arith.constant 48 : i32
    %add3A_1438 = vector.broadcast %add3A_1437 : i32 to vector<16xi32>
    %add3A_1439 = arith.addi %mul3A_13, %add3A_1438 : vector<16xi32>
    %add3A_1440 = arith.constant 2 : i32
    %add3A_1441 = vector.broadcast %add3A_1440 : i32 to vector<16xi32>
    %add3A_1442 = arith.addi %add3A_1439, %add3A_1441 : vector<16xi32>
    %gather3A_1443 = tpu.vector_load_idx %arg8[%add3A_1442] : memref<480xf32, #tpu.memory_space<vmem>>[vector<16xi32>], vector<16xf32>,
    %add3A_1444 = arith.addf %get3A_1434, %get3A_1436 : vector<16xf32>
    %mul3A_1445 = arith.constant 5.000000e-01 : f32
    %mul3A_1446 = vector.broadcast %mul3A_1445 : f32 to vector<16xf32>
    %mul3A_1447 = arith.mulf %add3A_1444, %mul3A_1446 : vector<16xf32>
    %get3A_1448 = arith.constant 336 : index
    %get3A_1449 = tpu.vector_load %arg9[%get3A_1448] {strides = array<i32>} : memref<480xf32, #tpu.memory_space<vmem>>, vector<16xf32>,
    %add3A_1450 = arith.addf %get3A_1449, %mul3A_1447 : vector<16xf32>
    %sub3A_1451 = arith.subf %add3A_1450, %gather3A_1443 : vector<16xf32>
    %mul3A_1452 = arith.mulf %sub3A_1451, %get3A_1406 : vector<16xf32>
    %add3A_1453 = arith.constant 48 : i32
    %add3A_1454 = vector.broadcast %add3A_1453 : i32 to vector<16xi32>
    %add3A_1455 = arith.addi %mul3A_13, %add3A_1454 : vector<16xi32>
    %add3A_1456 = arith.constant 2 : i32
    %add3A_1457 = vector.broadcast %add3A_1456 : i32 to vector<16xi32>
    %add3A_1458 = arith.addi %add3A_1455, %add3A_1457 : vector<16xi32>
    tpu.vector_store_idx %arg13[%add3A_1458], %mul3A_1452 : memref<480xf32, #tpu.memory_space<vmem>>[vector<16xi32>], vector<16xf32>,
    %get3A_1459 = arith.constant 192 : index
    %get3A_1460 = tpu.vector_load %arg12[%get3A_1459] {strides = array<i32>} : memref<960xf32, #tpu.memory_space<vmem>>, vector<16xf32>,
    %get3A_1461 = arith.constant 432 : index
    %get3A_1462 = tpu.vector_load %arg12[%get3A_1461] {strides = array<i32>} : memref<960xf32, #tpu.memory_space<vmem>>, vector<16xf32>,
    %add3A_1463 = arith.constant 96 : i32
    %add3A_1464 = vector.broadcast %add3A_1463 : i32 to vector<16xi32>
    %add3A_1465 = arith.addi %mul3A_13, %add3A_1464 : vector<16xi32>
    %add3A_1466 = arith.constant 2 : i32
    %add3A_1467 = vector.broadcast %add3A_1466 : i32 to vector<16xi32>
    %add3A_1468 = arith.addi %add3A_1465, %add3A_1467 : vector<16xi32>
    %gather3A_1469 = tpu.vector_load_idx %arg8[%add3A_1468] : memref<480xf32, #tpu.memory_space<vmem>>[vector<16xi32>], vector<16xf32>,
    %add3A_1470 = arith.addf %get3A_1460, %get3A_1462 : vector<16xf32>
    %mul3A_1471 = arith.constant 5.000000e-01 : f32
    %mul3A_1472 = vector.broadcast %mul3A_1471 : f32 to vector<16xf32>
    %mul3A_1473 = arith.mulf %add3A_1470, %mul3A_1472 : vector<16xf32>
    %get3A_1474 = arith.constant 352 : index
    %get3A_1475 = tpu.vector_load %arg9[%get3A_1474] {strides = array<i32>} : memref<480xf32, #tpu.memory_space<vmem>>, vector<16xf32>,
    %add3A_1476 = arith.addf %get3A_1475, %mul3A_1473 : vector<16xf32>
    %sub3A_1477 = arith.subf %add3A_1476, %gather3A_1469 : vector<16xf32>
    %mul3A_1478 = arith.mulf %sub3A_1477, %get3A_1406 : vector<16xf32>
    %add3A_1479 = arith.constant 96 : i32
    %add3A_1480 = vector.broadcast %add3A_1479 : i32 to vector<16xi32>
    %add3A_1481 = arith.addi %mul3A_13, %add3A_1480 : vector<16xi32>
    %add3A_1482 = arith.constant 2 : i32
    %add3A_1483 = vector.broadcast %add3A_1482 : i32 to vector<16xi32>
    %add3A_1484 = arith.addi %add3A_1481, %add3A_1483 : vector<16xi32>
    tpu.vector_store_idx %arg13[%add3A_1484], %mul3A_1478 : memref<480xf32, #tpu.memory_space<vmem>>[vector<16xi32>], vector<16xf32>,
    %get3A_1485 = arith.constant 208 : index
    %get3A_1486 = tpu.vector_load %arg12[%get3A_1485] {strides = array<i32>} : memref<960xf32, #tpu.memory_space<vmem>>, vector<16xf32>,
    %get3A_1487 = arith.constant 448 : index
    %get3A_1488 = tpu.vector_load %arg12[%get3A_1487] {strides = array<i32>} : memref<960xf32, #tpu.memory_space<vmem>>, vector<16xf32>,
    %add3A_1489 = arith.constant 144 : i32
    %add3A_1490 = vector.broadcast %add3A_1489 : i32 to vector<16xi32>
    %add3A_1491 = arith.addi %mul3A_13, %add3A_1490 : vector<16xi32>
    %add3A_1492 = arith.constant 2 : i32
    %add3A_1493 = vector.broadcast %add3A_1492 : i32 to vector<16xi32>
    %add3A_1494 = arith.addi %add3A_1491, %add3A_1493 : vector<16xi32>
    %gather3A_1495 = tpu.vector_load_idx %arg8[%add3A_1494] : memref<480xf32, #tpu.memory_space<vmem>>[vector<16xi32>], vector<16xf32>,
    %add3A_1496 = arith.addf %get3A_1486, %get3A_1488 : vector<16xf32>
    %mul3A_1497 = arith.constant 5.000000e-01 : f32
    %mul3A_1498 = vector.broadcast %mul3A_1497 : f32 to vector<16xf32>
    %mul3A_1499 = arith.mulf %add3A_1496, %mul3A_1498 : vector<16xf32>
    %get3A_1500 = arith.constant 368 : index
    %get3A_1501 = tpu.vector_load %arg9[%get3A_1500] {strides = array<i32>} : memref<480xf32, #tpu.memory_space<vmem>>, vector<16xf32>,
    %add3A_1502 = arith.addf %get3A_1501, %mul3A_1499 : vector<16xf32>
    %sub3A_1503 = arith.subf %add3A_1502, %gather3A_1495 : vector<16xf32>
    %mul3A_1504 = arith.mulf %sub3A_1503, %get3A_1406 : vector<16xf32>
    %add3A_1505 = arith.constant 144 : i32
    %add3A_1506 = vector.broadcast %add3A_1505 : i32 to vector<16xi32>
    %add3A_1507 = arith.addi %mul3A_13, %add3A_1506 : vector<16xi32>
    %add3A_1508 = arith.constant 2 : i32
    %add3A_1509 = vector.broadcast %add3A_1508 : i32 to vector<16xi32>
    %add3A_1510 = arith.addi %add3A_1507, %add3A_1509 : vector<16xi32>
    tpu.vector_store_idx %arg13[%add3A_1510], %mul3A_1504 : memref<480xf32, #tpu.memory_space<vmem>>[vector<16xi32>], vector<16xf32>,
    %get3A_1511 = arith.constant 224 : index
    %get3A_1512 = tpu.vector_load %arg12[%get3A_1511] {strides = array<i32>} : memref<960xf32, #tpu.memory_space<vmem>>, vector<16xf32>,
    %get3A_1513 = arith.constant 464 : index
    %get3A_1514 = tpu.vector_load %arg12[%get3A_1513] {strides = array<i32>} : memref<960xf32, #tpu.memory_space<vmem>>, vector<16xf32>,
    %add3A_1515 = arith.constant 192 : i32
    %add3A_1516 = vector.broadcast %add3A_1515 : i32 to vector<16xi32>
    %add3A_1517 = arith.addi %mul3A_13, %add3A_1516 : vector<16xi32>
    %add3A_1518 = arith.constant 2 : i32
    %add3A_1519 = vector.broadcast %add3A_1518 : i32 to vector<16xi32>
    %add3A_1520 = arith.addi %add3A_1517, %add3A_1519 : vector<16xi32>
    %gather3A_1521 = tpu.vector_load_idx %arg8[%add3A_1520] : memref<480xf32, #tpu.memory_space<vmem>>[vector<16xi32>], vector<16xf32>,
    %add3A_1522 = arith.addf %get3A_1512, %get3A_1514 : vector<16xf32>
    %mul3A_1523 = arith.constant 5.000000e-01 : f32
    %mul3A_1524 = vector.broadcast %mul3A_1523 : f32 to vector<16xf32>
    %mul3A_1525 = arith.mulf %add3A_1522, %mul3A_1524 : vector<16xf32>
    %get3A_1526 = arith.constant 384 : index
    %get3A_1527 = tpu.vector_load %arg9[%get3A_1526] {strides = array<i32>} : memref<480xf32, #tpu.memory_space<vmem>>, vector<16xf32>,
    %add3A_1528 = arith.addf %get3A_1527, %mul3A_1525 : vector<16xf32>
    %sub3A_1529 = arith.subf %add3A_1528, %gather3A_1521 : vector<16xf32>
    %mul3A_1530 = arith.mulf %sub3A_1529, %get3A_1406 : vector<16xf32>
    %add3A_1531 = arith.constant 192 : i32
    %add3A_1532 = vector.broadcast %add3A_1531 : i32 to vector<16xi32>
    %add3A_1533 = arith.addi %mul3A_13, %add3A_1532 : vector<16xi32>
    %add3A_1534 = arith.constant 2 : i32
    %add3A_1535 = vector.broadcast %add3A_1534 : i32 to vector<16xi32>
    %add3A_1536 = arith.addi %add3A_1533, %add3A_1535 : vector<16xi32>
    tpu.vector_store_idx %arg13[%add3A_1536], %mul3A_1530 : memref<480xf32, #tpu.memory_space<vmem>>[vector<16xi32>], vector<16xf32>,
    %get3A_1537 = arith.constant 640 : index
    %get3A_1538 = tpu.vector_load %arg12[%get3A_1537] {strides = array<i32>} : memref<960xf32, #tpu.memory_space<vmem>>, vector<16xf32>,
    %get3A_1539 = arith.constant 880 : index
    %get3A_1540 = tpu.vector_load %arg12[%get3A_1539] {strides = array<i32>} : memref<960xf32, #tpu.memory_space<vmem>>, vector<16xf32>,
    %add3A_1541 = arith.constant 240 : i32
    %add3A_1542 = vector.broadcast %add3A_1541 : i32 to vector<16xi32>
    %add3A_1543 = arith.addi %mul3A_13, %add3A_1542 : vector<16xi32>
    %add3A_1544 = arith.constant 2 : i32
    %add3A_1545 = vector.broadcast %add3A_1544 : i32 to vector<16xi32>
    %add3A_1546 = arith.addi %add3A_1543, %add3A_1545 : vector<16xi32>
    %gather3A_1547 = tpu.vector_load_idx %arg8[%add3A_1546] : memref<480xf32, #tpu.memory_space<vmem>>[vector<16xi32>], vector<16xf32>,
    %add3A_1548 = arith.addf %get3A_1538, %get3A_1540 : vector<16xf32>
    %mul3A_1549 = arith.constant 5.000000e-01 : f32
    %mul3A_1550 = vector.broadcast %mul3A_1549 : f32 to vector<16xf32>
    %mul3A_1551 = arith.mulf %add3A_1548, %mul3A_1550 : vector<16xf32>
    %get3A_1552 = arith.constant 400 : index
    %get3A_1553 = tpu.vector_load %arg9[%get3A_1552] {strides = array<i32>} : memref<480xf32, #tpu.memory_space<vmem>>, vector<16xf32>,
    %add3A_1554 = arith.addf %get3A_1553, %mul3A_1551 : vector<16xf32>
    %sub3A_1555 = arith.subf %add3A_1554, %gather3A_1547 : vector<16xf32>
    %mul3A_1556 = arith.mulf %sub3A_1555, %get3A_1406 : vector<16xf32>
    %add3A_1557 = arith.constant 240 : i32
    %add3A_1558 = vector.broadcast %add3A_1557 : i32 to vector<16xi32>
    %add3A_1559 = arith.addi %mul3A_13, %add3A_1558 : vector<16xi32>
    %add3A_1560 = arith.constant 2 : i32
    %add3A_1561 = vector.broadcast %add3A_1560 : i32 to vector<16xi32>
    %add3A_1562 = arith.addi %add3A_1559, %add3A_1561 : vector<16xi32>
    tpu.vector_store_idx %arg13[%add3A_1562], %mul3A_1556 : memref<480xf32, #tpu.memory_space<vmem>>[vector<16xi32>], vector<16xf32>,
    %get3A_1563 = arith.constant 656 : index
    %get3A_1564 = tpu.vector_load %arg12[%get3A_1563] {strides = array<i32>} : memref<960xf32, #tpu.memory_space<vmem>>, vector<16xf32>,
    %get3A_1565 = arith.constant 896 : index
    %get3A_1566 = tpu.vector_load %arg12[%get3A_1565] {strides = array<i32>} : memref<960xf32, #tpu.memory_space<vmem>>, vector<16xf32>,
    %add3A_1567 = arith.constant 288 : i32
    %add3A_1568 = vector.broadcast %add3A_1567 : i32 to vector<16xi32>
    %add3A_1569 = arith.addi %mul3A_13, %add3A_1568 : vector<16xi32>
    %add3A_1570 = arith.constant 2 : i32
    %add3A_1571 = vector.broadcast %add3A_1570 : i32 to vector<16xi32>
    %add3A_1572 = arith.addi %add3A_1569, %add3A_1571 : vector<16xi32>
    %gather3A_1573 = tpu.vector_load_idx %arg8[%add3A_1572] : memref<480xf32, #tpu.memory_space<vmem>>[vector<16xi32>], vector<16xf32>,
    %add3A_1574 = arith.addf %get3A_1564, %get3A_1566 : vector<16xf32>
    %mul3A_1575 = arith.constant 5.000000e-01 : f32
    %mul3A_1576 = vector.broadcast %mul3A_1575 : f32 to vector<16xf32>
    %mul3A_1577 = arith.mulf %add3A_1574, %mul3A_1576 : vector<16xf32>
    %get3A_1578 = arith.constant 416 : index
    %get3A_1579 = tpu.vector_load %arg9[%get3A_1578] {strides = array<i32>} : memref<480xf32, #tpu.memory_space<vmem>>, vector<16xf32>,
    %add3A_1580 = arith.addf %get3A_1579, %mul3A_1577 : vector<16xf32>
    %sub3A_1581 = arith.subf %add3A_1580, %gather3A_1573 : vector<16xf32>
    %mul3A_1582 = arith.mulf %sub3A_1581, %get3A_1406 : vector<16xf32>
    %add3A_1583 = arith.constant 288 : i32
    %add3A_1584 = vector.broadcast %add3A_1583 : i32 to vector<16xi32>
    %add3A_1585 = arith.addi %mul3A_13, %add3A_1584 : vector<16xi32>
    %add3A_1586 = arith.constant 2 : i32
    %add3A_1587 = vector.broadcast %add3A_1586 : i32 to vector<16xi32>
    %add3A_1588 = arith.addi %add3A_1585, %add3A_1587 : vector<16xi32>
    tpu.vector_store_idx %arg13[%add3A_1588], %mul3A_1582 : memref<480xf32, #tpu.memory_space<vmem>>[vector<16xi32>], vector<16xf32>,
    %get3A_1589 = arith.constant 672 : index
    %get3A_1590 = tpu.vector_load %arg12[%get3A_1589] {strides = array<i32>} : memref<960xf32, #tpu.memory_space<vmem>>, vector<16xf32>,
    %get3A_1591 = arith.constant 912 : index
    %get3A_1592 = tpu.vector_load %arg12[%get3A_1591] {strides = array<i32>} : memref<960xf32, #tpu.memory_space<vmem>>, vector<16xf32>,
    %add3A_1593 = arith.constant 336 : i32
    %add3A_1594 = vector.broadcast %add3A_1593 : i32 to vector<16xi32>
    %add3A_1595 = arith.addi %mul3A_13, %add3A_1594 : vector<16xi32>
    %add3A_1596 = arith.constant 2 : i32
    %add3A_1597 = vector.broadcast %add3A_1596 : i32 to vector<16xi32>
    %add3A_1598 = arith.addi %add3A_1595, %add3A_1597 : vector<16xi32>
    %gather3A_1599 = tpu.vector_load_idx %arg8[%add3A_1598] : memref<480xf32, #tpu.memory_space<vmem>>[vector<16xi32>], vector<16xf32>,
    %add3A_1600 = arith.addf %get3A_1590, %get3A_1592 : vector<16xf32>
    %mul3A_1601 = arith.constant 5.000000e-01 : f32
    %mul3A_1602 = vector.broadcast %mul3A_1601 : f32 to vector<16xf32>
    %mul3A_1603 = arith.mulf %add3A_1600, %mul3A_1602 : vector<16xf32>
    %get3A_1604 = arith.constant 432 : index
    %get3A_1605 = tpu.vector_load %arg9[%get3A_1604] {strides = array<i32>} : memref<480xf32, #tpu.memory_space<vmem>>, vector<16xf32>,
    %add3A_1606 = arith.addf %get3A_1605, %mul3A_1603 : vector<16xf32>
    %sub3A_1607 = arith.subf %add3A_1606, %gather3A_1599 : vector<16xf32>
    %mul3A_1608 = arith.mulf %sub3A_1607, %get3A_1406 : vector<16xf32>
    %add3A_1609 = arith.constant 336 : i32
    %add3A_1610 = vector.broadcast %add3A_1609 : i32 to vector<16xi32>
    %add3A_1611 = arith.addi %mul3A_13, %add3A_1610 : vector<16xi32>
    %add3A_1612 = arith.constant 2 : i32
    %add3A_1613 = vector.broadcast %add3A_1612 : i32 to vector<16xi32>
    %add3A_1614 = arith.addi %add3A_1611, %add3A_1613 : vector<16xi32>
    tpu.vector_store_idx %arg13[%add3A_1614], %mul3A_1608 : memref<480xf32, #tpu.memory_space<vmem>>[vector<16xi32>], vector<16xf32>,
    %get3A_1615 = arith.constant 688 : index
    %get3A_1616 = tpu.vector_load %arg12[%get3A_1615] {strides = array<i32>} : memref<960xf32, #tpu.memory_space<vmem>>, vector<16xf32>,
    %get3A_1617 = arith.constant 928 : index
    %get3A_1618 = tpu.vector_load %arg12[%get3A_1617] {strides = array<i32>} : memref<960xf32, #tpu.memory_space<vmem>>, vector<16xf32>,
    %add3A_1619 = arith.constant 384 : i32
    %add3A_1620 = vector.broadcast %add3A_1619 : i32 to vector<16xi32>
    %add3A_1621 = arith.addi %mul3A_13, %add3A_1620 : vector<16xi32>
    %add3A_1622 = arith.constant 2 : i32
    %add3A_1623 = vector.broadcast %add3A_1622 : i32 to vector<16xi32>
    %add3A_1624 = arith.addi %add3A_1621, %add3A_1623 : vector<16xi32>
    %gather3A_1625 = tpu.vector_load_idx %arg8[%add3A_1624] : memref<480xf32, #tpu.memory_space<vmem>>[vector<16xi32>], vector<16xf32>,
    %add3A_1626 = arith.addf %get3A_1616, %get3A_1618 : vector<16xf32>
    %mul3A_1627 = arith.constant 5.000000e-01 : f32
    %mul3A_1628 = vector.broadcast %mul3A_1627 : f32 to vector<16xf32>
    %mul3A_1629 = arith.mulf %add3A_1626, %mul3A_1628 : vector<16xf32>
    %get3A_1630 = arith.constant 448 : index
    %get3A_1631 = tpu.vector_load %arg9[%get3A_1630] {strides = array<i32>} : memref<480xf32, #tpu.memory_space<vmem>>, vector<16xf32>,
    %add3A_1632 = arith.addf %get3A_1631, %mul3A_1629 : vector<16xf32>
    %sub3A_1633 = arith.subf %add3A_1632, %gather3A_1625 : vector<16xf32>
    %mul3A_1634 = arith.mulf %sub3A_1633, %get3A_1406 : vector<16xf32>
    %add3A_1635 = arith.constant 384 : i32
    %add3A_1636 = vector.broadcast %add3A_1635 : i32 to vector<16xi32>
    %add3A_1637 = arith.addi %mul3A_13, %add3A_1636 : vector<16xi32>
    %add3A_1638 = arith.constant 2 : i32
    %add3A_1639 = vector.broadcast %add3A_1638 : i32 to vector<16xi32>
    %add3A_1640 = arith.addi %add3A_1637, %add3A_1639 : vector<16xi32>
    tpu.vector_store_idx %arg13[%add3A_1640], %mul3A_1634 : memref<480xf32, #tpu.memory_space<vmem>>[vector<16xi32>], vector<16xf32>,
    %get3A_1641 = arith.constant 704 : index
    %get3A_1642 = tpu.vector_load %arg12[%get3A_1641] {strides = array<i32>} : memref<960xf32, #tpu.memory_space<vmem>>, vector<16xf32>,
    %get3A_1643 = arith.constant 944 : index
    %get3A_1644 = tpu.vector_load %arg12[%get3A_1643] {strides = array<i32>} : memref<960xf32, #tpu.memory_space<vmem>>, vector<16xf32>,
    %add3A_1645 = arith.constant 432 : i32
    %add3A_1646 = vector.broadcast %add3A_1645 : i32 to vector<16xi32>
    %add3A_1647 = arith.addi %mul3A_13, %add3A_1646 : vector<16xi32>
    %add3A_1648 = arith.constant 2 : i32
    %add3A_1649 = vector.broadcast %add3A_1648 : i32 to vector<16xi32>
    %add3A_1650 = arith.addi %add3A_1647, %add3A_1649 : vector<16xi32>
    %gather3A_1651 = tpu.vector_load_idx %arg8[%add3A_1650] : memref<480xf32, #tpu.memory_space<vmem>>[vector<16xi32>], vector<16xf32>,
    %add3A_1652 = arith.addf %get3A_1642, %get3A_1644 : vector<16xf32>
    %mul3A_1653 = arith.constant 5.000000e-01 : f32
    %mul3A_1654 = vector.broadcast %mul3A_1653 : f32 to vector<16xf32>
    %mul3A_1655 = arith.mulf %add3A_1652, %mul3A_1654 : vector<16xf32>
    %get3A_1656 = arith.constant 464 : index
    %get3A_1657 = tpu.vector_load %arg9[%get3A_1656] {strides = array<i32>} : memref<480xf32, #tpu.memory_space<vmem>>, vector<16xf32>,
    %add3A_1658 = arith.addf %get3A_1657, %mul3A_1655 : vector<16xf32>
    %sub3A_1659 = arith.subf %add3A_1658, %gather3A_1651 : vector<16xf32>
    %mul3A_1660 = arith.mulf %sub3A_1659, %get3A_1406 : vector<16xf32>
    %add3A_1661 = arith.constant 432 : i32
    %add3A_1662 = vector.broadcast %add3A_1661 : i32 to vector<16xi32>
    %add3A_1663 = arith.addi %mul3A_13, %add3A_1662 : vector<16xi32>
    %add3A_1664 = arith.constant 2 : i32
    %add3A_1665 = vector.broadcast %add3A_1664 : i32 to vector<16xi32>
    %add3A_1666 = arith.addi %add3A_1663, %add3A_1665 : vector<16xi32>
    tpu.vector_store_idx %arg13[%add3A_1666], %mul3A_1660 : memref<480xf32, #tpu.memory_space<vmem>>[vector<16xi32>], vector<16xf32>,
    "tpu.region"() ({
      %run_scoped3A = tpu.sem_alloc : memref<!tpu.dma_semaphore, #tpu.memory_space<semaphore_mem>>
      %dma_start3A_1667 = tpu.memref_slice %arg6[%mul3A_4] : memref<15360xf32, #tpu.memory_space<hbm>> -> memref<480xf32, #tpu.memory_space<hbm>>
      %dma_start3A_1668 = tpu.memref_slice %arg6[%mul3A_4] : memref<15360xf32, #tpu.memory_space<hbm>> -> memref<480xf32, #tpu.memory_space<hbm>>
      tpu.enqueue_dma source(%arg13 : memref<480xf32, #tpu.memory_space<vmem>>) target(%dma_start3A_1668 : memref<480xf32, #tpu.memory_space<hbm>>) target_semaphore(%run_scoped3A : memref<!tpu.dma_semaphore, #tpu.memory_space<semaphore_mem>>)
      %dma_wait3A_1669 = tpu.memref_slice %arg6[%mul3A_4] : memref<15360xf32, #tpu.memory_space<hbm>> -> memref<480xf32, #tpu.memory_space<hbm>>
      %dma_wait3A_1670 = tpu.memref_slice %arg6[%mul3A_4] : memref<15360xf32, #tpu.memory_space<hbm>> -> memref<480xf32, #tpu.memory_space<hbm>>
      tpu.wait_dma2 semaphore(%run_scoped3A : memref<!tpu.dma_semaphore, #tpu.memory_space<semaphore_mem>>) src(%arg13 : memref<480xf32, #tpu.memory_space<vmem>>) dst(%dma_wait3A_1670 : memref<480xf32, #tpu.memory_space<hbm>>)
      tpu.yield
    }) : () -> ()
    return
  }
}

</mosaic_0001>

<sc_bundles>
// kernel: kernel.3.cloned.1.call-start
scs
__scs_entry_jumppad:
0x0: {  	(pc) =	sbr.rel $0x88, $3  }
0x1: {  	(tag) =	ssettag $0x0;
	lr =	simm.s32 $0x1  }
0x2: {  	[smem:$0x3F9D] =	sst lr;
	_ =	strace $0xD0000000  }
0x3: {  	_ = 	snop  }
0x4: {  	_ = 	snop  }
0x5: {  	_ = 	snop  }
0x6: {  	_ = 	snop  }
0x7: {  	_ = 	snop  }
__scs_overlays_trampoline_lowered:
0x8: {  	[smem:$0x3FAC] =	sst s0  }
0x9: {  	[smem:$0x3FAD] =	sst s1  }
0xa: {  	[smem:$0x3FAE] =	sst s2  }
0xb: {  	[smem:$0x3FAF] =	sst s3  }
0xc: {  	[smem:$0x3FB0] =	sst s4  }
0xd: {  	[smem:$0x3FB1] =	sst s5  }
0xe: {  	[smem:$0x3FB2] =	sst s6  }
0xf: {  	[smem:$0x3FB3] =	sst s7  }
0x10: {  	[smem:$0x3FB4] =	sst s8  }
0x11: {  	[smem:$0x3FB5] =	sst s9;
	s0 =	simm.s32 @!p0 $0x0  }
0x12: {  	s1 =	sld [smem:$0x3F9B];
	s0 =	simm.s32 @p0 $0x1  }
0x13: {  	[smem:$0x3FB6] =	sst s0;
	s0 =	simm.s32 @!p1 $0x0  }
0x14: {  	s2 =	sld [smem:$0x3F9A];
	s0 =	simm.s32 @p1 $0x1  }
0x15: {  	[smem:$0x3FB7] =	sst s0;
	s0 =	simm.s32 @!p2 $0x0  }
0x16: {  	s3 =	sld [smem:$0x3FDB];
	s0 =	simm.s32 @p2 $0x1  }
0x17: {  	s4 =	simm.s32 $0x1BF5;
	[smem:$0x3FB9] =	sst s0  }
0x18: {  	s0 =	sld [smem:$0x3F9C];
	_ =	swait.ge [sflag:s4], $0x0  }
0x19: {  	s7 =	sld [smem:$0x3F9D]  }
0x1a: {  	s8 =	sadd.s32 $0xFFFFE003, lr  }
0x1b: {  	s9 =	sadd.s32 $0xFFFFFEF7, lr;
	s5 =	simm.s32 $0xFFFFFFFF;
	p2 =	slt.u32 s8, $0xFFFFF086  }
0x1c: {  	p1 =	slt.u32 s9, $0xF7A;
	s5 =	simm.s32 @!p2 $0x0  }
0x1d: {  	s5 =	simm.s32 @p1 $0x1;
	p0 =	seq.s32 s7, s2  }
0x1e: {  	s7 =	smul.u32 @!p0 $0xF7A, s2;
	p2 =	seq.s32 @!p0 s5, $0x0  }
0x1f: {  	s9 =	smul.u32 $0xF7A, s1;
	s8 =	simm.s32 @!p0 $0x1BF5;
	p2 =	por !p2, p0  }
0x20: {  	[sflag:s8] =	ssyncset.s32 @!p0 $0xFFFFF086;
	s6 =	sadd.s32 @!p0 s3, s7;
	s7 =	simm.s32 @!p0 $0x108  }
0x21: {  	s3 =	sadd.s32 s3, s9;
	s6 =	sadd.s32 @!p0 $0x88, s6;
	s7 =	simm.s32 @p2 $0x1082  }
0x22: {  	[simem:s7], [sflag:s8] =	dma.local @!p0 [hbm:s6], $0xF7A  }
0x23: {  	s9 =	sor.u32 $0xD0000000, s2;
	s6 =	simm.s32 $0x108;
	_ =	swait.ge @!p0 [sflag:s8], $0x0  }
0x24: {  	s3 =	sadd.s32 $0x88, s3;
	s6 =	simm.s32 @!p1 $0x1082;
	[sflag:s4] =	ssyncset.s32 $0xFFFFF086  }
0x25: {  	[simem:s6], [sflag:s4] =	dma.local [hbm:s3], $0xF7A  }
0x26: {  	[smem:$0x3F9D] =	sst s1;
	(tag) =	ssettag s2;
	_ =	strace s9  }
0x27: {  	s1 =	sld [smem:$0x3FAD]  }
0x28: {  	s2 =	sld [smem:$0x3FAE]  }
0x29: {  	s4 =	sld [smem:$0x3FB0]  }
0x2a: {  	p0 =	seq.s32 s5, $0x0;
	s5 =	sld [smem:$0x3FB1]  }
0x2b: {  	s6 =	sld [smem:$0x3FB2]  }
0x2c: {  	s7 =	sld [smem:$0x3FB3]  }
0x2d: {  	s3 =	simm.s32 $0x108;
	s8 =	sld [smem:$0x3FB4]  }
0x2e: {  	s3 =	simm.s32 @!p0 $0x1082;
	s9 =	sld [smem:$0x3FB5]  }
0x2f: {  	lr =	sadd.s32 s0, s3;
	s0 =	sld [smem:$0x3FAC]  }
0x30: {  	s3 =	sld [smem:$0x3FAF]  }
0x31: {  	[smem:$0x3FB8] =	sst s10  }
0x32: {  	s10 =	sld [smem:$0x3FB6];
	_ =	sdelay $0x3  }
0x33: {  	p0 =	seq.s32 s10, $0x1;
	s10 =	sld [smem:$0x3FB8];
	_ =	sdelay $0x3  }
0x34: {  	[smem:$0x3FB8] =	sst s10  }
0x35: {  	s10 =	sld [smem:$0x3FB7];
	_ =	sdelay $0x3  }
0x36: {  	p1 =	seq.s32 s10, $0x1;
	s10 =	sld [smem:$0x3FB8];
	_ =	sdelay $0x3  }
0x37: {  	[smem:$0x3FB8] =	sst s10  }
0x38: {  	s10 =	sld [smem:$0x3FB9]  }
0x39: {  	_ = 	snop;
	(pc) =	sbr.ind lr, $3  }
0x3a: {  	_ = 	snop  }
0x3b: {  	_ = 	snop  }
0x3c: {  	p2 =	seq.s32 s10, $0x1;
	s10 =	sld [smem:$0x3FB8]  }
0x3d: {  	_ =	shalt  }
0x3e: {  	_ =	shalt  }
0x3f: {  	_ =	shalt  }
0x40: {  	_ =	shalt  }
0x41: {  	_ =	shalt  }
0x42: {  	_ =	shalt  }
0x43: {  	_ =	shalt  }
0x44: {  	_ =	shalt  }
0x45: {  	_ =	shalt  }
0x46: {  	_ =	shalt  }
0x47: {  	_ =	shalt  }
0x48: {  	_ =	shalt  }
0x49: {  	_ =	shalt  }
0x4a: {  	_ =	shalt  }
0x4b: {  	_ =	shalt  }
0x4c: {  	_ =	shalt  }
0x4d: {  	_ =	shalt  }
0x4e: {  	_ =	shalt  }
0x4f: {  	_ =	shalt  }
0x50: {  	_ =	shalt  }
0x51: {  	_ =	shalt  }
0x52: {  	_ =	shalt  }
0x53: {  	_ =	shalt  }
0x54: {  	_ =	shalt  }
0x55: {  	_ =	shalt  }
0x56: {  	_ =	shalt  }
0x57: {  	_ =	shalt  }
0x58: {  	_ =	shalt  }
0x59: {  	_ =	shalt  }
0x5a: {  	_ =	shalt  }
0x5b: {  	_ =	shalt  }
0x5c: {  	_ =	shalt  }
0x5d: {  	_ =	shalt  }
0x5e: {  	_ =	shalt  }
0x5f: {  	_ =	shalt  }
0x60: {  	_ =	shalt  }
0x61: {  	_ =	shalt  }
0x62: {  	_ =	shalt  }
0x63: {  	_ =	shalt  }
0x64: {  	_ =	shalt  }
0x65: {  	_ =	shalt  }
0x66: {  	_ =	shalt  }
0x67: {  	_ =	shalt  }
0x68: {  	_ =	shalt  }
0x69: {  	_ =	shalt  }
0x6a: {  	_ =	shalt  }
0x6b: {  	_ =	shalt  }
0x6c: {  	_ =	shalt  }
0x6d: {  	_ =	shalt  }
0x6e: {  	_ =	shalt  }
0x6f: {  	_ =	shalt  }
0x70: {  	_ =	shalt  }
0x71: {  	_ =	shalt  }
0x72: {  	_ =	shalt  }
0x73: {  	_ =	shalt  }
0x74: {  	_ =	shalt  }
0x75: {  	_ =	shalt  }
0x76: {  	_ =	shalt  }
0x77: {  	_ =	shalt  }
0x78: {  	_ =	shalt  }
0x79: {  	_ =	shalt  }
0x7a: {  	_ =	shalt  }
0x7b: {  	_ =	shalt  }
0x7c: {  	_ =	shalt  }
0x7d: {  	_ =	shalt  }
0x7e: {  	_ =	shalt  }
0x7f: {  	_ =	shalt  }
0x80: {  	_ =	shalt  }
0x81: {  	_ =	shalt  }
0x82: {  	_ =	shalt  }
0x83: {  	_ =	shalt  }
0x84: {  	_ =	shalt  }
0x85: {  	_ =	shalt  }
0x86: {  	_ =	shalt  }
0x87: {  	_ =	shalt  }
.Lfunc_end0:
.L_simem_size_0:
called_computation_lowered:
.L_overlay_start_0:
0x88: {  	s2 =	sld [smem:$0x3FD9]  }
0x89: {  	s3 =	sld [smem:$0x3FFE];
	_ =	sdelay $0x1  }
0x8a: {  	s1 =	srdreg.scid  }
0x8b: {  	s0 =	sand.u32 $0x1, s1  }
0x8c: {  	s17 =	sshll.u32 s0, $0xA;
	s2 =	sadd.s32 s3, s2  }
0x8d: {  	s2 =	sadd.s32 s2, s17  }
0x8e: {  	[smem:$0x3FC4] =	sst s2  }
0x8f: {  	_ = 	snop  }
0x90: {  	s2 =	sld [smem:$0x3FD0];
	(tm) =	ssettm $0x1  }
0x91: {  	s18 =	sld [smem:$0x3FFB];
	_ =	sdelay $0x3  }
0x92: {  	_ =	strace s18  }
0x93: {  	s3 =	sld [smem:$0x3FFC];
	_ =	sdelay $0x3  }
0x94: {  	_ =	strace s3  }
0x95: {  	s3 =	sld [smem:$0x3FFD];
	_ =	sdelay $0x3  }
0x96: {  	_ =	strace s3  }
0x97: {  	_ =	strace $0x8FFFFFFF  }
0x98: {  	s19 =	sld [smem:$0x3FDB];
	_ =	sdelay $0x1  }
0x99: {  	s4 =	simm.s32 $_scs_section_size  }
0x9a: {  	s5 =	simm.s32 $_size__tile_overlayer_lowered;
	s6 =	simm.s32 $_tile_overlayer_lowered  }
0x9b: {  	s22 =	simm.s32 $0x1BFF;
	s21 =	sshll.u32 s6, $0x1;
	s3 =	sadd.s32 s4, s19  }
0x9c: {  	s7 =	simm.s32 $0x0;
	s20 =	sshll.u32 s5, $0x1;
	s5 =	sadd.s32 s21, s3  }
0x9d: {  	[timem:s7], [sflag:s22] =	dma.local [hbm:s5], s20  }
0x9e: {  	_ =	swait.ge [sflag:s22], s20  }
0x9f: {  	s4 =	ssub.s32 $0x0, s20;
	[sflag:s22] =	ssyncset.done $0x0  }
0xa0: {  	[sflag:s22] =	ssyncadd.s32 s4;
	_ =	sdelay $0x1  }
0xa1: {  	s23 =	simm.s32 $0x1B8B  }
0xa2: {  	_ =	swait.ge [sflag:s23], $0x1  }
0xa3: {  	[sflag:s23] =	ssyncset.done $0x0  }
0xa4: {  	s25 =	simm.s32 $0x1B8E;
	s24 =	sld [smem:$0x3FFE];
	[sflag:s23] =	ssyncadd.s32 $0xFFFFFFFF  }
0xa5: {  	s26 =	simm.s32 $execute0_lowered;
	[smem:$0x3FD2] =	sst s25  }
0xa6: {  	s5 =	sshll.u32 s26, $0x1;
	_ =	strace $0x80000046;
	[dreg:$0x1] =	wrdreg $0xFFFFFFFF  }
0xa7: {  	s28 =	simm.s32 $_size_execute0_lowered;
	s3 =	sadd.s32 s3, s5;
	[dreg:$0x0] =	wrdreg $0x0  }
0xa8: {  	s5 =	sshll.u32 s28, $0x1;
	[dreg:$0x2] =	wrdreg s3  }
0xa9: {  	[dreg:$0x3] =	wrdreg s5  }
0xaa: {  	[dreg:$0x4] =	wrdreg $0xC0  }
0xab: {  	_ =	task [dreg:s7], $0x5FFFF  }
0xac: {  	[dreg:$0x1] =	wrdreg $0xFFFFFFFF  }
0xad: {  	[dreg:$0x0] =	wrdreg $0x60  }
0xae: {  	[dreg:$0x2] =	wrdreg s2  }
0xaf: {  	[dreg:$0x3] =	wrdreg s24  }
0xb0: {  	[dreg:$0x4] =	wrdreg $0x9  }
0xb1: {  	_ =	task.clear_ibuf [dreg:s7], $0x5FFFF;
	_ =	strace $0x90000046  }
0xb2: {  	s29 =	simm.s32 $0x9;
	_ =	strace $0x80000048  }
0xb3: {  	_ =	swait.ge [sflag:s29], $0x1  }
0xb4: {  	[sflag:s29] =	ssyncadd.s32 $0xFFFFFFFF  }
0xb5: {  	_ =	strace $0x90000048  }
0xb6: {  	_ =	sfence  }
0xb7: {  	s30 =	sld [smem:$0x0];
	_ =	sdelay $0x2  }
0xb8: {  	s31 =	sshll.u32 s1, $0xD;
	s1 =	sshrl.u32 s1, $0x2  }
0xb9: {  	s3 =	sand.u32 $0x4000, s31;
	s1 =	sadd.s32 s1, s30  }
0xba: {  	s0 =	sor.u32 s3, s0;
	s1 =	sshll.u32 s1, $0x11  }
0xbb: {  	s0 =	sor.u32 s1, s0  }
0xbc: {  	s0 =	sadd.s32 $0x8F2B, s0  }
0xbd: {  	[sflag:s0] =	ssyncadd.remote.s32 $0x1  }
0xbe: {  	_ =	sfence.sel $0xFFFF  }
0xbf: {  	[dreg:$0x0] =	wrdreg $0xFFFFFFFF;
	(pc) =	sbr.abs _section_cstart, $3  }
0xc0: {  	[dreg:$0x1] =	wrdreg $0xFFFFFFFF  }
0xc1: {  	_ =	task.clear_ibuf [dreg:s7], $0x2FFFF;
	_ =	strace $0x9FFFFFFF  }
0xc2: {  	(tm) =	ssettm $0x7FFFFFFF  }
0xc3: {  	_ =	shalt  }
tec
execute0_lowered:
.L_overlay_start_1:
0x0: {  	(tag) =	ssettag $0x1  }
0x1: {  	v0 =	vlaneseq.u32  }
0x2: {  	v0 =	vmul.u32 $0x3, v0  }
0x3: {  	s6 =	rddreg [dreg:$0x0];
	s1 =	srdreg.scid  }
0x4: {  	s0 =	stileid.u32;
	s5 =	rddreg [dreg:$0x1];
	v3 =	vimm.s32 $0x0;
	s2 =	simm.s32 $0x0;
	v1 =	vadd.s32 $0x1, v0;
	v2 =	vadd.s32 $0x2, v0  }
0x5: {  	s10 =	simm.s32 $0x600;
	s11 =	simm.s32 $0x1;
	s12 =	simm.s32 $0x1E0;
	v4 =	vadd.s32 $0x30, v0;
	v5 =	vadd.s32 $0x31, v0;
	v6 =	vadd.s32 $0x32, v0  }
0x6: {  	s13 =	simm.s32 $0x680;
	s14 =	simm.s32 $0xA80;
	s15 =	simm.s32 $0x860;
	v7 =	vadd.s32 $0x60, v0;
	v8 =	vadd.s32 $0x61, v0;
	v9 =	vadd.s32 $0x62, v0  }
0x7: {  	s16 =	simm.s32 $0xC60;
	s17 =	simm.s32 $0xE80;
	s18 =	simm.s32 $0x2;
	v10 =	vadd.s32 $0x90, v0;
	v11 =	vadd.s32 $0x91, v0;
	v12 =	vadd.s32 $0x92, v0  }
0x8: {  	s4 =	sand.u32 $0x1, s1;
	s3 =	sshll.u32 s0, $0x1;
	s1 =	rddreg [dreg:$0x2];
	v13 =	vor.u32 $0xC0, v0;
	v14 =	vadd.s32 $0xC1, v0;
	v15 =	vadd.s32 $0xC2, v0  }
0x9: {  	[smem:$0x7FF] =	sst s2;
	s3 =	sor.u32 s4, s3;
	s8 =	ssub.s32 $0x2, s4;
	v16 =	vadd.s32 $0xF0, v0;
	v17 =	vadd.s32 $0xF1, v0;
	v18 =	vadd.s32 $0xF2, v0  }
0xa: {  	_ =	strace $0x80000047;
	s7 =	smul.u32 $0x3C, s3;
	s31 =	sshrl.u32 s8, $0x1;
	v19 =	vadd.s32 $0x120, v0;
	v20 =	vadd.s32 $0x121, v0;
	v21 =	vadd.s32 $0x122, v0  }
0xb: {  	s4 =	sadd.s32 $0x600, s5;
	s3 =	sadd.s32 $0x1000, s5;
	v22 =	vadd.s32 $0x150, v0;
	v23 =	vadd.s32 $0x151, v0;
	v24 =	vadd.s32 $0x152, v0;
	s8 =	ssub.s32 s8, s31  }
0xc: {  	v25 =	vor.u32 $0x180, v0;
	v26 =	vadd.s32 $0x181, v0;
	v27 =	vadd.s32 $0x182, v0;
	s9 =	sadd.s32 s7, s5;
	s6 =	sadd.s32 s6, s7;
	s8 =	smax.u32 s8, $0x1  }
0xd: {  	v28 =	vadd.s32 $0x1B0, v0;
	v29 =	vadd.s32 $0x1B1, v0;
	v30 =	vadd.s32 $0x1B2, v0;
	s5 =	sadd.s32 $0x800, s9;
	s7 =	sadd.s32 $0x289000, s9;
	s9 =	simm.s32 $0x200  }
.LBB2_1:
0xe: {  	[tilespmem:s2], [sflag:$0x1] =	stream.linear.gather [hbm4b:s5+s2], $0x1E0, $0x38;
	[tilespmem:$0x1080] =	vst v63  }
0xf: {  	_ = 	snop  }
0x10: {  	[tilespmem:s9], [sflag:$0x1] =	stream.linear.gather [hbm4b:s6+s2], $0x1E0, $0x38;
	[tilespmem:$0x1080] =	vst v63  }
0x11: {  	_ = 	snop  }
0x12: {  	[tilespmem:s10], [sflag:$0x1] =	stream.linear.gather [hbm4b:s4+s2], $0x80, $0x38;
	[tilespmem:$0x1080] =	vst v63  }
0x13: {  	_ =	swait.ge [sflag:s11], $0x1E0  }
0x14: {  	[sflag:s11] =	ssyncset.done $0x0  }
0x15: {  	[sflag:s11] =	ssyncadd.s32 $0xFFFFFE20  }
0x16: {  	_ =	swait.ge [sflag:s11], $0x1E0  }
0x17: {  	[sflag:s11] =	ssyncset.done $0x0  }
0x18: {  	[sflag:s11] =	ssyncadd.s32 $0xFFFFFE20  }
0x19: {  	_ =	swait.ge [sflag:s11], $0x80  }
0x1a: {  	[sflag:s11] =	ssyncset.done $0x0  }
0x1b: {  	[sflag:s11] =	ssyncadd.s32 $0xFFFFFF80  }
0x1c: {  	v31 =	vld.idx.msk [tilespmem:v0+s2+$0x0], $0xffff  }
0x1d: {  	v32 =	vld.idx.msk [tilespmem:v1+s2+$0x0], $0xffff  }
0x1e: {  	v33 =	vld.idx.msk [tilespmem:v2+s2+$0x0], $0xffff;
	_ =	sdelay $0x3  }
0x1f: {  	v34 =	vtrunc.f32 v31  }
0x20: {  	v35 =	vtrunc.f32 v32;
	v43 =	vtrunc.f32 v33  }
0x21: {  	v36 =	vcvt.f32.s32 v34;
	v37 =	vcvt.f32.s32 v35  }
0x22: {  	vm0 =	vgt.f32 v31, v34;
	vm11 =	vgt.f32 v32, v35;
	v44 =	vcvt.f32.s32 v43  }
0x23: {  	vm12 =	vgt.f32 v33, v43;
	v38 =	vsel vm0, $0x1, v3;
	v39 =	vsel vm11, $0x1, v3  }
0x24: {  	v38 =	vadd.s32 v36, v38;
	v45 =	vmul.u32 $0x9000, v36;
	v46 =	vmul.u32 $0xC0, v37  }
0x25: {  	[tilespmem:$0x400] =	vst v31;
	v47 =	vsel vm12, $0x1, v3;
	v31 =	vadd.s32 v37, v39;
	v38 =	vmul.u32 $0x9000, v38  }
0x26: {  	[tilespmem:$0x4A0] =	vst v32;
	v49 =	vadd.s32 v44, v47;
	v31 =	vmul.u32 $0xC0, v31;
	v48 =	vadd.s32 v45, v46  }
0x27: {  	[tilespmem:$0x540] =	vst v33;
	v32 =	vadd.s32 v44, v48;
	v50 =	vadd.s32 v38, v49  }
0x28: {  	v31 =	vadd.s32 v31, v50;
	[tilespmem:$0x680] =	vst v32  }
0x29: {  	v51 =	vadd.s32 $0x6C0000, v32;
	[tilespmem:$0x770] =	vst v31  }
0x2a: {  	v32 =	vadd.s32 $0xD80000, v32;
	[tilespmem:$0x6D0] =	vst v51  }
0x2b: {  	v52 =	vadd.s32 $0x6C0000, v31;
	[tilespmem:$0x720] =	vst v32  }
0x2c: {  	v31 =	vadd.s32 $0xD80000, v31;
	[tilespmem:$0x7C0] =	vst v52  }
0x2d: {  	[tilespmem:$0x810] =	vst v31  }
0x2e: {  	v31 =	vld.idx.msk [tilespmem:v4+s2+$0x0], $0xffff  }
0x2f: {  	v32 =	vld.idx.msk [tilespmem:v5+s2+$0x0], $0xffff  }
0x30: {  	v33 =	vld.idx.msk [tilespmem:v6+s2+$0x0], $0xffff;
	_ =	sdelay $0x3  }
0x31: {  	v53 =	vtrunc.f32 v31  }
0x32: {  	v54 =	vtrunc.f32 v32;
	v57 =	vtrunc.f32 v33  }
0x33: {  	v55 =	vcvt.f32.s32 v53;
	v56 =	vcvt.f32.s32 v54  }
0x34: {  	vm13 =	vgt.f32 v31, v53;
	vm14 =	vgt.f32 v32, v54;
	v59 =	vcvt.f32.s32 v57  }
0x35: {  	vm15 =	vgt.f32 v33, v57;
	v58 =	vsel vm13, $0x1, v3;
	v60 =	vsel vm14, $0x1, v3  }
0x36: {  	v38 =	vadd.s32 v55, v58;
	v61 =	vmul.u32 $0x9000, v55;
	v62 =	vmul.u32 $0xC0, v56  }
0x37: {  	[tilespmem:$0x410] =	vst v31;
	v63 =	vsel vm15, $0x1, v3;
	v31 =	vadd.s32 v56, v60;
	v38 =	vmul.u32 $0x9000, v38  }
0x38: {  	[tilespmem:$0x4B0] =	vst v32;
	v39 =	vadd.s32 v59, v63;
	v31 =	vmul.u32 $0xC0, v31;
	v36 =	vadd.s32 v61, v62  }
0x39: {  	[tilespmem:$0x550] =	vst v33;
	v32 =	vadd.s32 v59, v36;
	v40 =	vadd.s32 v38, v39  }
0x3a: {  	v31 =	vadd.s32 v31, v40;
	[tilespmem:$0x690] =	vst v32  }
0x3b: {  	v41 =	vadd.s32 $0x6C0000, v32;
	[tilespmem:$0x780] =	vst v31  }
0x3c: {  	v32 =	vadd.s32 $0xD80000, v32;
	[tilespmem:$0x6E0] =	vst v41  }
0x3d: {  	v42 =	vadd.s32 $0x6C0000, v31;
	[tilespmem:$0x730] =	vst v32  }
0x3e: {  	v31 =	vadd.s32 $0xD80000, v31;
	[tilespmem:$0x7D0] =	vst v42  }
0x3f: {  	[tilespmem:$0x820] =	vst v31  }
0x40: {  	v31 =	vld.idx.msk [tilespmem:v7+s2+$0x0], $0xffff  }
0x41: {  	v32 =	vld.idx.msk [tilespmem:v8+s2+$0x0], $0xffff  }
0x42: {  	v33 =	vld.idx.msk [tilespmem:v9+s2+$0x0], $0xffff;
	_ =	sdelay $0x3  }
0x43: {  	v43 =	vtrunc.f32 v31  }
0x44: {  	v44 =	vtrunc.f32 v32;
	v47 =	vtrunc.f32 v33  }
0x45: {  	v45 =	vcvt.f32.s32 v43;
	v46 =	vcvt.f32.s32 v44  }
0x46: {  	vm4 =	vgt.f32 v31, v43;
	vm5 =	vgt.f32 v32, v44;
	v49 =	vcvt.f32.s32 v47  }
0x47: {  	vm6 =	vgt.f32 v33, v47;
	v48 =	vsel vm4, $0x1, v3;
	v50 =	vsel vm5, $0x1, v3  }
0x48: {  	v38 =	vadd.s32 v45, v48;
	v51 =	vmul.u32 $0x9000, v45;
	v52 =	vmul.u32 $0xC0, v46  }
0x49: {  	[tilespmem:$0x420] =	vst v31;
	v53 =	vsel vm6, $0x1, v3;
	v31 =	vadd.s32 v46, v50;
	v38 =	vmul.u32 $0x9000, v38  }
0x4a: {  	[tilespmem:$0x4C0] =	vst v32;
	v55 =	vadd.s32 v49, v53;
	v31 =	vmul.u32 $0xC0, v31;
	v54 =	vadd.s32 v51, v52  }
0x4b: {  	[tilespmem:$0x560] =	vst v33;
	v32 =	vadd.s32 v49, v54;
	v56 =	vadd.s32 v38, v55  }
0x4c: {  	v31 =	vadd.s32 v31, v56;
	[tilespmem:$0x6A0] =	vst v32  }
0x4d: {  	v57 =	vadd.s32 $0x6C0000, v32;
	[tilespmem:$0x790] =	vst v31  }
0x4e: {  	v32 =	vadd.s32 $0xD80000, v32;
	[tilespmem:$0x6F0] =	vst v57  }
0x4f: {  	v58 =	vadd.s32 $0x6C0000, v31;
	[tilespmem:$0x740] =	vst v32  }
0x50: {  	v31 =	vadd.s32 $0xD80000, v31;
	[tilespmem:$0x7E0] =	vst v58  }
0x51: {  	[tilespmem:$0x830] =	vst v31  }
0x52: {  	v31 =	vld.idx.msk [tilespmem:v10+s2+$0x0], $0xffff  }
0x53: {  	v32 =	vld.idx.msk [tilespmem:v11+s2+$0x0], $0xffff  }
0x54: {  	v33 =	vld.idx.msk [tilespmem:v12+s2+$0x0], $0xffff;
	_ =	sdelay $0x3  }
0x55: {  	v59 =	vtrunc.f32 v31  }
0x56: {  	v60 =	vtrunc.f32 v32;
	v63 =	vtrunc.f32 v33  }
0x57: {  	v61 =	vcvt.f32.s32 v59;
	v62 =	vcvt.f32.s32 v60  }
0x58: {  	vm7 =	vgt.f32 v31, v59;
	vm8 =	vgt.f32 v32, v60;
	v43 =	vcvt.f32.s32 v63  }
0x59: {  	vm9 =	vgt.f32 v33, v63;
	v42 =	vsel vm7, $0x1, v3;
	v44 =	vsel vm8, $0x1, v3  }
0x5a: {  	v38 =	vadd.s32 v61, v42;
	v45 =	vmul.u32 $0x9000, v61;
	v46 =	vmul.u32 $0xC0, v62  }
0x5b: {  	[tilespmem:$0x430] =	vst v31;
	v47 =	vsel vm9, $0x1, v3;
	v31 =	vadd.s32 v62, v44;
	v38 =	vmul.u32 $0x9000, v38  }
0x5c: {  	[tilespmem:$0x4D0] =	vst v32;
	v49 =	vadd.s32 v43, v47;
	v31 =	vmul.u32 $0xC0, v31;
	v48 =	vadd.s32 v45, v46  }
0x5d: {  	[tilespmem:$0x570] =	vst v33;
	v32 =	vadd.s32 v43, v48;
	v50 =	vadd.s32 v38, v49  }
0x5e: {  	v31 =	vadd.s32 v31, v50;
	[tilespmem:$0x6B0] =	vst v32  }
0x5f: {  	v51 =	vadd.s32 $0x6C0000, v32;
	[tilespmem:$0x7A0] =	vst v31  }
0x60: {  	v32 =	vadd.s32 $0xD80000, v32;
	[tilespmem:$0x700] =	vst v51  }
0x61: {  	v52 =	vadd.s32 $0x6C0000, v31;
	[tilespmem:$0x750] =	vst v32  }
0x62: {  	v31 =	vadd.s32 $0xD80000, v31;
	[tilespmem:$0x7F0] =	vst v52  }
0x63: {  	[tilespmem:$0x840] =	vst v31  }
0x64: {  	v31 =	vld.idx.msk [tilespmem:v13+s2+$0x0], $0xffff  }
0x65: {  	v32 =	vld.idx.msk [tilespmem:v14+s2+$0x0], $0xffff  }
0x66: {  	v33 =	vld.idx.msk [tilespmem:v15+s2+$0x0], $0xffff;
	_ =	sdelay $0x3  }
0x67: {  	v53 =	vtrunc.f32 v31  }
0x68: {  	v54 =	vtrunc.f32 v32;
	v57 =	vtrunc.f32 v33  }
0x69: {  	v55 =	vcvt.f32.s32 v53;
	v56 =	vcvt.f32.s32 v54  }
0x6a: {  	vm10 =	vgt.f32 v31, v53;
	vm11 =	vgt.f32 v32, v54;
	v59 =	vcvt.f32.s32 v57  }
0x6b: {  	vm12 =	vgt.f32 v33, v57;
	v58 =	vsel vm10, $0x1, v3;
	v60 =	vsel vm11, $0x1, v3  }
0x6c: {  	v38 =	vadd.s32 v55, v58;
	v61 =	vmul.u32 $0x9000, v55;
	v62 =	vmul.u32 $0xC0, v56  }
0x6d: {  	[tilespmem:$0x440] =	vst v31;
	v63 =	vsel vm12, $0x1, v3;
	v31 =	vadd.s32 v56, v60;
	v38 =	vmul.u32 $0x9000, v38  }
0x6e: {  	[tilespmem:$0x4E0] =	vst v32;
	v39 =	vadd.s32 v59, v63;
	v31 =	vmul.u32 $0xC0, v31;
	v36 =	vadd.s32 v61, v62  }
0x6f: {  	[tilespmem:$0x580] =	vst v33;
	v32 =	vadd.s32 v59, v36;
	v40 =	vadd.s32 v38, v39  }
0x70: {  	v31 =	vadd.s32 v31, v40;
	[tilespmem:$0x6C0] =	vst v32  }
0x71: {  	v41 =	vadd.s32 $0x6C0000, v32;
	[tilespmem:$0x7B0] =	vst v31  }
0x72: {  	v32 =	vadd.s32 $0xD80000, v32;
	[tilespmem:$0x710] =	vst v41  }
0x73: {  	v42 =	vadd.s32 $0x6C0000, v31;
	[tilespmem:$0x760] =	vst v32  }
0x74: {  	v31 =	vadd.s32 $0xD80000, v31;
	[tilespmem:$0x800] =	vst v42  }
0x75: {  	[tilespmem:$0x850] =	vst v31  }
0x76: {  	[tilespmem:s14], [sflag:$0x1] =	stream.indirect.gather [hbm4b:s3+s12], $0x1, s13, s12, $0xb8;
	[tilespmem:$0x1080] =	vst v63  }
0x77: {  	v31 =	vld.idx.msk [tilespmem:v16+s2+$0x0], $0xffff  }
0x78: {  	v32 =	vld.idx.msk [tilespmem:v17+s2+$0x0], $0xffff  }
0x79: {  	v33 =	vld.idx.msk [tilespmem:v18+s2+$0x0], $0xffff;
	_ =	sdelay $0x3  }
0x7a: {  	v43 =	vtrunc.f32 v31  }
0x7b: {  	v44 =	vtrunc.f32 v32;
	v47 =	vtrunc.f32 v33  }
0x7c: {  	v45 =	vcvt.f32.s32 v43;
	v46 =	vcvt.f32.s32 v44  }
0x7d: {  	vm13 =	vgt.f32 v31, v43;
	vm14 =	vgt.f32 v32, v44;
	v49 =	vcvt.f32.s32 v47  }
0x7e: {  	vm15 =	vgt.f32 v33, v47;
	v48 =	vsel vm13, $0x1, v3;
	v50 =	vsel vm14, $0x1, v3  }
0x7f: {  	v38 =	vadd.s32 v45, v48;
	v51 =	vmul.u32 $0x9000, v45;
	v52 =	vmul.u32 $0xC0, v46  }
0x80: {  	[tilespmem:$0x450] =	vst v31;
	v53 =	vsel vm15, $0x1, v3;
	v31 =	vadd.s32 v46, v50;
	v38 =	vmul.u32 $0x9000, v38  }
0x81: {  	[tilespmem:$0x4F0] =	vst v32;
	v55 =	vadd.s32 v49, v53;
	v31 =	vmul.u32 $0xC0, v31;
	v54 =	vadd.s32 v51, v52  }
0x82: {  	[tilespmem:$0x590] =	vst v33;
	v32 =	vadd.s32 v49, v54;
	v56 =	vadd.s32 v38, v55  }
0x83: {  	v31 =	vadd.s32 v31, v56;
	[tilespmem:$0x860] =	vst v32  }
0x84: {  	v57 =	vadd.s32 $0x6C0000, v32;
	[tilespmem:$0x950] =	vst v31  }
0x85: {  	v32 =	vadd.s32 $0xD80000, v32;
	[tilespmem:$0x8B0] =	vst v57  }
0x86: {  	v58 =	vadd.s32 $0x6C0000, v31;
	[tilespmem:$0x900] =	vst v32  }
0x87: {  	v31 =	vadd.s32 $0xD80000, v31;
	[tilespmem:$0x9A0] =	vst v58  }
0x88: {  	[tilespmem:$0x9F0] =	vst v31  }
0x89: {  	v31 =	vld.idx.msk [tilespmem:v19+s2+$0x0], $0xffff  }
0x8a: {  	v32 =	vld.idx.msk [tilespmem:v20+s2+$0x0], $0xffff  }
0x8b: {  	v33 =	vld.idx.msk [tilespmem:v21+s2+$0x0], $0xffff;
	_ =	sdelay $0x3  }
0x8c: {  	v59 =	vtrunc.f32 v31  }
0x8d: {  	v60 =	vtrunc.f32 v32;
	v63 =	vtrunc.f32 v33  }
0x8e: {  	v61 =	vcvt.f32.s32 v59;
	v62 =	vcvt.f32.s32 v60  }
0x8f: {  	vm4 =	vgt.f32 v31, v59;
	vm5 =	vgt.f32 v32, v60;
	v43 =	vcvt.f32.s32 v63  }
0x90: {  	vm6 =	vgt.f32 v33, v63;
	v42 =	vsel vm4, $0x1, v3;
	v44 =	vsel vm5, $0x1, v3  }
0x91: {  	v38 =	vadd.s32 v61, v42;
	v45 =	vmul.u32 $0x9000, v61;
	v46 =	vmul.u32 $0xC0, v62  }
0x92: {  	[tilespmem:$0x460] =	vst v31;
	v47 =	vsel vm6, $0x1, v3;
	v31 =	vadd.s32 v62, v44;
	v38 =	vmul.u32 $0x9000, v38  }
0x93: {  	[tilespmem:$0x500] =	vst v32;
	v49 =	vadd.s32 v43, v47;
	v31 =	vmul.u32 $0xC0, v31;
	v48 =	vadd.s32 v45, v46  }
0x94: {  	[tilespmem:$0x5A0] =	vst v33;
	v32 =	vadd.s32 v43, v48;
	v50 =	vadd.s32 v38, v49  }
0x95: {  	v31 =	vadd.s32 v31, v50;
	[tilespmem:$0x870] =	vst v32  }
0x96: {  	v51 =	vadd.s32 $0x6C0000, v32;
	[tilespmem:$0x960] =	vst v31  }
0x97: {  	v32 =	vadd.s32 $0xD80000, v32;
	[tilespmem:$0x8C0] =	vst v51  }
0x98: {  	v52 =	vadd.s32 $0x6C0000, v31;
	[tilespmem:$0x910] =	vst v32  }
0x99: {  	v31 =	vadd.s32 $0xD80000, v31;
	[tilespmem:$0x9B0] =	vst v52  }
0x9a: {  	[tilespmem:$0xA00] =	vst v31  }
0x9b: {  	v31 =	vld.idx.msk [tilespmem:v22+s2+$0x0], $0xffff  }
0x9c: {  	v32 =	vld.idx.msk [tilespmem:v23+s2+$0x0], $0xffff  }
0x9d: {  	v33 =	vld.idx.msk [tilespmem:v24+s2+$0x0], $0xffff;
	_ =	sdelay $0x3  }
0x9e: {  	v53 =	vtrunc.f32 v31  }
0x9f: {  	v54 =	vtrunc.f32 v32;
	v57 =	vtrunc.f32 v33  }
0xa0: {  	v55 =	vcvt.f32.s32 v53;
	v56 =	vcvt.f32.s32 v54  }
0xa1: {  	vm7 =	vgt.f32 v31, v53;
	vm8 =	vgt.f32 v32, v54;
	v59 =	vcvt.f32.s32 v57  }
0xa2: {  	vm9 =	vgt.f32 v33, v57;
	v58 =	vsel vm7, $0x1, v3;
	v60 =	vsel vm8, $0x1, v3  }
0xa3: {  	v38 =	vadd.s32 v55, v58;
	v61 =	vmul.u32 $0x9000, v55;
	v62 =	vmul.u32 $0xC0, v56  }
0xa4: {  	[tilespmem:$0x470] =	vst v31;
	v63 =	vsel vm9, $0x1, v3;
	v31 =	vadd.s32 v56, v60;
	v38 =	vmul.u32 $0x9000, v38  }
0xa5: {  	[tilespmem:$0x510] =	vst v32;
	v41 =	vadd.s32 v59, v63;
	v31 =	vmul.u32 $0xC0, v31;
	v40 =	vadd.s32 v61, v62  }
0xa6: {  	[tilespmem:$0x5B0] =	vst v33;
	v32 =	vadd.s32 v59, v40;
	v42 =	vadd.s32 v38, v41  }
0xa7: {  	v31 =	vadd.s32 v31, v42;
	[tilespmem:$0x880] =	vst v32  }
0xa8: {  	v43 =	vadd.s32 $0x6C0000, v32;
	[tilespmem:$0x970] =	vst v31  }
0xa9: {  	v32 =	vadd.s32 $0xD80000, v32;
	[tilespmem:$0x8D0] =	vst v43  }
0xaa: {  	v44 =	vadd.s32 $0x6C0000, v31;
	[tilespmem:$0x920] =	vst v32  }
0xab: {  	v31 =	vadd.s32 $0xD80000, v31;
	[tilespmem:$0x9C0] =	vst v44  }
0xac: {  	[tilespmem:$0xA10] =	vst v31  }
0xad: {  	v31 =	vld.idx.msk [tilespmem:v25+s2+$0x0], $0xffff  }
0xae: {  	v32 =	vld.idx.msk [tilespmem:v26+s2+$0x0], $0xffff  }
0xaf: {  	v33 =	vld.idx.msk [tilespmem:v27+s2+$0x0], $0xffff;
	_ =	sdelay $0x3  }
0xb0: {  	v45 =	vtrunc.f32 v31  }
0xb1: {  	v46 =	vtrunc.f32 v32;
	v49 =	vtrunc.f32 v33  }
0xb2: {  	v47 =	vcvt.f32.s32 v45;
	v48 =	vcvt.f32.s32 v46  }
0xb3: {  	vm10 =	vgt.f32 v31, v45;
	vm11 =	vgt.f32 v32, v46;
	v51 =	vcvt.f32.s32 v49  }
0xb4: {  	vm12 =	vgt.f32 v33, v49;
	v50 =	vsel vm10, $0x1, v3;
	v52 =	vsel vm11, $0x1, v3  }
0xb5: {  	v38 =	vadd.s32 v47, v50;
	v53 =	vmul.u32 $0x9000, v47;
	v54 =	vmul.u32 $0xC0, v48  }
0xb6: {  	[tilespmem:$0x480] =	vst v31;
	v55 =	vsel vm12, $0x1, v3;
	v31 =	vadd.s32 v48, v52;
	v38 =	vmul.u32 $0x9000, v38  }
0xb7: {  	[tilespmem:$0x520] =	vst v32;
	v57 =	vadd.s32 v51, v55;
	v31 =	vmul.u32 $0xC0, v31;
	v56 =	vadd.s32 v53, v54  }
0xb8: {  	[tilespmem:$0x5C0] =	vst v33;
	v32 =	vadd.s32 v51, v56;
	v58 =	vadd.s32 v38, v57  }
0xb9: {  	v31 =	vadd.s32 v31, v58;
	[tilespmem:$0x890] =	vst v32  }
0xba: {  	v59 =	vadd.s32 $0x6C0000, v32;
	[tilespmem:$0x980] =	vst v31  }
0xbb: {  	v32 =	vadd.s32 $0xD80000, v32;
	[tilespmem:$0x8E0] =	vst v59  }
0xbc: {  	v60 =	vadd.s32 $0x6C0000, v31;
	[tilespmem:$0x930] =	vst v32  }
0xbd: {  	v31 =	vadd.s32 $0xD80000, v31;
	[tilespmem:$0x9D0] =	vst v60  }
0xbe: {  	[tilespmem:$0xA20] =	vst v31  }
0xbf: {  	v31 =	vld.idx.msk [tilespmem:v28+s2+$0x0], $0xffff  }
0xc0: {  	v32 =	vld.idx.msk [tilespmem:v29+s2+$0x0], $0xffff  }
0xc1: {  	v33 =	vld.idx.msk [tilespmem:v30+s2+$0x0], $0xffff;
	_ =	sdelay $0x3  }
0xc2: {  	v61 =	vtrunc.f32 v31  }
0xc3: {  	v62 =	vtrunc.f32 v32;
	v43 =	vtrunc.f32 v33  }
0xc4: {  	v63 =	vcvt.f32.s32 v61;
	v42 =	vcvt.f32.s32 v62  }
0xc5: {  	vm13 =	vgt.f32 v31, v61;
	vm14 =	vgt.f32 v32, v62;
	v45 =	vcvt.f32.s32 v43  }
0xc6: {  	vm15 =	vgt.f32 v33, v43;
	v44 =	vsel vm13, $0x1, v3;
	v46 =	vsel vm14, $0x1, v3  }
0xc7: {  	v38 =	vadd.s32 v63, v44;
	v47 =	vmul.u32 $0x9000, v63;
	v48 =	vmul.u32 $0xC0, v42  }
0xc8: {  	[tilespmem:$0x490] =	vst v31;
	v49 =	vsel vm15, $0x1, v3;
	v31 =	vadd.s32 v42, v46;
	v38 =	vmul.u32 $0x9000, v38  }
0xc9: {  	[tilespmem:$0x530] =	vst v32;
	v51 =	vadd.s32 v45, v49;
	v31 =	vmul.u32 $0xC0, v31;
	v50 =	vadd.s32 v47, v48  }
0xca: {  	[tilespmem:$0x5D0] =	vst v33;
	v32 =	vadd.s32 v45, v50;
	v52 =	vadd.s32 v38, v51  }
0xcb: {  	v31 =	vadd.s32 v31, v52;
	[tilespmem:$0x8A0] =	vst v32  }
0xcc: {  	v53 =	vadd.s32 $0x6C0000, v32;
	[tilespmem:$0x990] =	vst v31  }
0xcd: {  	v32 =	vadd.s32 $0xD80000, v32;
	[tilespmem:$0x8F0] =	vst v53  }
0xce: {  	v54 =	vadd.s32 $0x6C0000, v31;
	[tilespmem:$0x940] =	vst v32  }
0xcf: {  	v31 =	vadd.s32 $0xD80000, v31;
	[tilespmem:$0x9E0] =	vst v54  }
0xd0: {  	[tilespmem:$0xA30] =	vst v31  }
0xd1: {  	[tilespmem:s16], [sflag:$0x1] =	stream.indirect.gather [hbm4b:s3+s12], $0x1, s15, s12, $0xb8;
	[tilespmem:$0x1080] =	vst v63  }
0xd2: {  	_ =	swait.ge [sflag:s11], $0x1E0  }
0xd3: {  	[sflag:s11] =	ssyncset.done $0x0  }
0xd4: {  	[sflag:s11] =	ssyncadd.s32 $0xFFFFFE20  }
0xd5: {  	_ =	swait.ge [sflag:s11], $0x1E0  }
0xd6: {  	[sflag:s11] =	ssyncset.done $0x0  }
0xd7: {  	[sflag:s11] =	ssyncadd.s32 $0xFFFFFE20  }
0xd8: {  	v31 =	vld [tilespmem:$0xA80]  }
0xd9: {  	v55 =	vld [tilespmem:$0xB70];
	_ =	sdelay $0x3  }
0xda: {  	v56 =	vld [tilespmem:$0x400]  }
0xdb: {  	v31 =	vadd.f32 v55, v31  }
0xdc: {  	v57 =	vld.idx.msk [tilespmem:v0+s9+$0x0], $0xffff  }
0xdd: {  	v31 =	vmul.f32 $5.000000000e-01, v31  }
0xde: {  	v58 =	vld [tilespmem:$0x600]  }
0xdf: {  	v31 =	vadd.f32 v31, v56;
	_ =	sdelay $0x1  }
0xe0: {  	v31 =	vsub.f32 v31, v57;
	_ =	sdelay $0x1  }
0xe1: {  	v31 =	vmul.f32 v31, v58;
	_ =	sdelay $0x1  }
0xe2: {  	[tilespmem:v0+s17+$0x0] =	vst.idx.msk $0xffff, v31  }
0xe3: {  	v31 =	vld [tilespmem:$0xA90]  }
0xe4: {  	v59 =	vld [tilespmem:$0xB80];
	_ =	sdelay $0x3  }
0xe5: {  	v60 =	vld [tilespmem:$0x410]  }
0xe6: {  	v31 =	vadd.f32 v59, v31  }
0xe7: {  	v61 =	vld.idx.msk [tilespmem:v4+s9+$0x0], $0xffff  }
0xe8: {  	v31 =	vmul.f32 $5.000000000e-01, v31;
	_ =	sdelay $0x1  }
0xe9: {  	v31 =	vadd.f32 v31, v60;
	_ =	sdelay $0x1  }
0xea: {  	v31 =	vsub.f32 v31, v61;
	_ =	sdelay $0x1  }
0xeb: {  	v31 =	vmul.f32 v31, v58;
	_ =	sdelay $0x1  }
0xec: {  	[tilespmem:v4+s17+$0x0] =	vst.idx.msk $0xffff, v31  }
0xed: {  	v31 =	vld [tilespmem:$0xAA0]  }
0xee: {  	v62 =	vld [tilespmem:$0xB90];
	_ =	sdelay $0x3  }
0xef: {  	v63 =	vld [tilespmem:$0x420]  }
0xf0: {  	v31 =	vadd.f32 v62, v31  }
0xf1: {  	v36 =	vld.idx.msk [tilespmem:v7+s9+$0x0], $0xffff  }
0xf2: {  	v31 =	vmul.f32 $5.000000000e-01, v31;
	_ =	sdelay $0x1  }
0xf3: {  	v31 =	vadd.f32 v31, v63;
	_ =	sdelay $0x1  }
0xf4: {  	v31 =	vsub.f32 v31, v36;
	_ =	sdelay $0x1  }
0xf5: {  	v31 =	vmul.f32 v31, v58;
	_ =	sdelay $0x1  }
0xf6: {  	[tilespmem:v7+s17+$0x0] =	vst.idx.msk $0xffff, v31  }
0xf7: {  	v31 =	vld [tilespmem:$0xAB0]  }
0xf8: {  	v37 =	vld [tilespmem:$0xBA0];
	_ =	sdelay $0x3  }
0xf9: {  	v38 =	vld [tilespmem:$0x430]  }
0xfa: {  	v31 =	vadd.f32 v37, v31  }
0xfb: {  	v39 =	vld.idx.msk [tilespmem:v10+s9+$0x0], $0xffff  }
0xfc: {  	v31 =	vmul.f32 $5.000000000e-01, v31;
	_ =	sdelay $0x1  }
0xfd: {  	v31 =	vadd.f32 v31, v38;
	_ =	sdelay $0x1  }
0xfe: {  	v31 =	vsub.f32 v31, v39;
	_ =	sdelay $0x1  }
0xff: {  	v31 =	vmul.f32 v31, v58;
	_ =	sdelay $0x1  }
0x100: {  	[tilespmem:v10+s17+$0x0] =	vst.idx.msk $0xffff, v31  }
0x101: {  	v31 =	vld [tilespmem:$0xAC0]  }
0x102: {  	v40 =	vld [tilespmem:$0xBB0];
	_ =	sdelay $0x3  }
0x103: {  	v41 =	vld [tilespmem:$0x440]  }
0x104: {  	v31 =	vadd.f32 v40, v31  }
0x105: {  	v42 =	vld.idx.msk [tilespmem:v13+s9+$0x0], $0xffff  }
0x106: {  	v31 =	vmul.f32 $5.000000000e-01, v31;
	_ =	sdelay $0x1  }
0x107: {  	v31 =	vadd.f32 v31, v41;
	_ =	sdelay $0x1  }
0x108: {  	v31 =	vsub.f32 v31, v42;
	_ =	sdelay $0x1  }
0x109: {  	v31 =	vmul.f32 v31, v58;
	_ =	sdelay $0x1  }
0x10a: {  	[tilespmem:v13+s17+$0x0] =	vst.idx.msk $0xffff, v31  }
0x10b: {  	v31 =	vld [tilespmem:$0xC60]  }
0x10c: {  	v43 =	vld [tilespmem:$0xD50];
	_ =	sdelay $0x3  }
0x10d: {  	v44 =	vld [tilespmem:$0x450]  }
0x10e: {  	v31 =	vadd.f32 v43, v31  }
0x10f: {  	v45 =	vld.idx.msk [tilespmem:v16+s9+$0x0], $0xffff  }
0x110: {  	v31 =	vmul.f32 $5.000000000e-01, v31;
	_ =	sdelay $0x1  }
0x111: {  	v31 =	vadd.f32 v31, v44;
	_ =	sdelay $0x1  }
0x112: {  	v31 =	vsub.f32 v31, v45;
	_ =	sdelay $0x1  }
0x113: {  	v31 =	vmul.f32 v31, v58;
	_ =	sdelay $0x1  }
0x114: {  	[tilespmem:v16+s17+$0x0] =	vst.idx.msk $0xffff, v31  }
0x115: {  	v31 =	vld [tilespmem:$0xC70]  }
0x116: {  	v46 =	vld [tilespmem:$0xD60];
	_ =	sdelay $0x3  }
0x117: {  	v47 =	vld [tilespmem:$0x460]  }
0x118: {  	v31 =	vadd.f32 v46, v31  }
0x119: {  	v48 =	vld.idx.msk [tilespmem:v19+s9+$0x0], $0xffff  }
0x11a: {  	v31 =	vmul.f32 $5.000000000e-01, v31;
	_ =	sdelay $0x1  }
0x11b: {  	v31 =	vadd.f32 v31, v47;
	_ =	sdelay $0x1  }
0x11c: {  	v31 =	vsub.f32 v31, v48;
	_ =	sdelay $0x1  }
0x11d: {  	v31 =	vmul.f32 v31, v58;
	_ =	sdelay $0x1  }
0x11e: {  	[tilespmem:v19+s17+$0x0] =	vst.idx.msk $0xffff, v31  }
0x11f: {  	v31 =	vld [tilespmem:$0xC80]  }
0x120: {  	v49 =	vld [tilespmem:$0xD70];
	_ =	sdelay $0x3  }
0x121: {  	v50 =	vld [tilespmem:$0x470]  }
0x122: {  	v31 =	vadd.f32 v49, v31  }
0x123: {  	v51 =	vld.idx.msk [tilespmem:v22+s9+$0x0], $0xffff  }
0x124: {  	v31 =	vmul.f32 $5.000000000e-01, v31;
	_ =	sdelay $0x1  }
0x125: {  	v31 =	vadd.f32 v31, v50;
	_ =	sdelay $0x1  }
0x126: {  	v31 =	vsub.f32 v31, v51;
	_ =	sdelay $0x1  }
0x127: {  	v31 =	vmul.f32 v31, v58;
	_ =	sdelay $0x1  }
0x128: {  	[tilespmem:v22+s17+$0x0] =	vst.idx.msk $0xffff, v31  }
0x129: {  	v31 =	vld [tilespmem:$0xC90]  }
0x12a: {  	v52 =	vld [tilespmem:$0xD80];
	_ =	sdelay $0x3  }
0x12b: {  	v53 =	vld [tilespmem:$0x480]  }
0x12c: {  	v31 =	vadd.f32 v52, v31  }
0x12d: {  	v54 =	vld.idx.msk [tilespmem:v25+s9+$0x0], $0xffff  }
0x12e: {  	v31 =	vmul.f32 $5.000000000e-01, v31;
	_ =	sdelay $0x1  }
0x12f: {  	v31 =	vadd.f32 v31, v53;
	_ =	sdelay $0x1  }
0x130: {  	v31 =	vsub.f32 v31, v54;
	_ =	sdelay $0x1  }
0x131: {  	v31 =	vmul.f32 v31, v58;
	_ =	sdelay $0x1  }
0x132: {  	[tilespmem:v25+s17+$0x0] =	vst.idx.msk $0xffff, v31  }
0x133: {  	v31 =	vld [tilespmem:$0xCA0]  }
0x134: {  	v55 =	vld [tilespmem:$0xD90];
	_ =	sdelay $0x3  }
0x135: {  	v56 =	vld [tilespmem:$0x490]  }
0x136: {  	v31 =	vadd.f32 v55, v31  }
0x137: {  	v57 =	vld.idx.msk [tilespmem:v28+s9+$0x0], $0xffff  }
0x138: {  	v31 =	vmul.f32 $5.000000000e-01, v31;
	_ =	sdelay $0x1  }
0x139: {  	v31 =	vadd.f32 v31, v56;
	_ =	sdelay $0x1  }
0x13a: {  	v31 =	vsub.f32 v31, v57;
	_ =	sdelay $0x1  }
0x13b: {  	v31 =	vmul.f32 v31, v58;
	_ =	sdelay $0x1  }
0x13c: {  	[tilespmem:v28+s17+$0x0] =	vst.idx.msk $0xffff, v31  }
0x13d: {  	v31 =	vld [tilespmem:$0xAD0]  }
0x13e: {  	v58 =	vld [tilespmem:$0xBC0];
	_ =	sdelay $0x3  }
0x13f: {  	v59 =	vld [tilespmem:$0x4A0]  }
0x140: {  	v31 =	vadd.f32 v58, v31  }
0x141: {  	v60 =	vld.idx.msk [tilespmem:v1+s9+$0x0], $0xffff  }
0x142: {  	v31 =	vmul.f32 $5.000000000e-01, v31  }
0x143: {  	v61 =	vld [tilespmem:$0x610]  }
0x144: {  	v31 =	vadd.f32 v31, v59;
	_ =	sdelay $0x1  }
0x145: {  	v31 =	vsub.f32 v31, v60;
	_ =	sdelay $0x1  }
0x146: {  	v31 =	vmul.f32 v31, v61;
	_ =	sdelay $0x1  }
0x147: {  	[tilespmem:v1+s17+$0x0] =	vst.idx.msk $0xffff, v31  }
0x148: {  	v31 =	vld [tilespmem:$0xAE0]  }
0x149: {  	v62 =	vld [tilespmem:$0xBD0];
	_ =	sdelay $0x3  }
0x14a: {  	v63 =	vld [tilespmem:$0x4B0]  }
0x14b: {  	v31 =	vadd.f32 v62, v31  }
0x14c: {  	v36 =	vld.idx.msk [tilespmem:v5+s9+$0x0], $0xffff  }
0x14d: {  	v31 =	vmul.f32 $5.000000000e-01, v31;
	_ =	sdelay $0x1  }
0x14e: {  	v31 =	vadd.f32 v31, v63;
	_ =	sdelay $0x1  }
0x14f: {  	v31 =	vsub.f32 v31, v36;
	_ =	sdelay $0x1  }
0x150: {  	v31 =	vmul.f32 v31, v61;
	_ =	sdelay $0x1  }
0x151: {  	[tilespmem:v5+s17+$0x0] =	vst.idx.msk $0xffff, v31  }
0x152: {  	v31 =	vld [tilespmem:$0xAF0]  }
0x153: {  	v37 =	vld [tilespmem:$0xBE0];
	_ =	sdelay $0x3  }
0x154: {  	v38 =	vld [tilespmem:$0x4C0]  }
0x155: {  	v31 =	vadd.f32 v37, v31  }
0x156: {  	v39 =	vld.idx.msk [tilespmem:v8+s9+$0x0], $0xffff  }
0x157: {  	v31 =	vmul.f32 $5.000000000e-01, v31;
	_ =	sdelay $0x1  }
0x158: {  	v31 =	vadd.f32 v31, v38;
	_ =	sdelay $0x1  }
0x159: {  	v31 =	vsub.f32 v31, v39;
	_ =	sdelay $0x1  }
0x15a: {  	v31 =	vmul.f32 v31, v61;
	_ =	sdelay $0x1  }
0x15b: {  	[tilespmem:v8+s17+$0x0] =	vst.idx.msk $0xffff, v31  }
0x15c: {  	v31 =	vld [tilespmem:$0xB00]  }
0x15d: {  	v40 =	vld [tilespmem:$0xBF0];
	_ =	sdelay $0x3  }
0x15e: {  	v41 =	vld [tilespmem:$0x4D0]  }
0x15f: {  	v31 =	vadd.f32 v40, v31  }
0x160: {  	v42 =	vld.idx.msk [tilespmem:v11+s9+$0x0], $0xffff  }
0x161: {  	v31 =	vmul.f32 $5.000000000e-01, v31;
	_ =	sdelay $0x1  }
0x162: {  	v31 =	vadd.f32 v31, v41;
	_ =	sdelay $0x1  }
0x163: {  	v31 =	vsub.f32 v31, v42;
	_ =	sdelay $0x1  }
0x164: {  	v31 =	vmul.f32 v31, v61;
	_ =	sdelay $0x1  }
0x165: {  	[tilespmem:v11+s17+$0x0] =	vst.idx.msk $0xffff, v31  }
0x166: {  	v31 =	vld [tilespmem:$0xB10]  }
0x167: {  	v43 =	vld [tilespmem:$0xC00];
	_ =	sdelay $0x3  }
0x168: {  	v44 =	vld [tilespmem:$0x4E0]  }
0x169: {  	v31 =	vadd.f32 v43, v31  }
0x16a: {  	v45 =	vld.idx.msk [tilespmem:v14+s9+$0x0], $0xffff  }
0x16b: {  	v31 =	vmul.f32 $5.000000000e-01, v31;
	_ =	sdelay $0x1  }
0x16c: {  	v31 =	vadd.f32 v31, v44;
	_ =	sdelay $0x1  }
0x16d: {  	v31 =	vsub.f32 v31, v45;
	_ =	sdelay $0x1  }
0x16e: {  	v31 =	vmul.f32 v31, v61;
	_ =	sdelay $0x1  }
0x16f: {  	[tilespmem:v14+s17+$0x0] =	vst.idx.msk $0xffff, v31  }
0x170: {  	v31 =	vld [tilespmem:$0xCB0]  }
0x171: {  	v46 =	vld [tilespmem:$0xDA0];
	_ =	sdelay $0x3  }
0x172: {  	v47 =	vld [tilespmem:$0x4F0]  }
0x173: {  	v31 =	vadd.f32 v46, v31  }
0x174: {  	v48 =	vld.idx.msk [tilespmem:v17+s9+$0x0], $0xffff  }
0x175: {  	v31 =	vmul.f32 $5.000000000e-01, v31;
	_ =	sdelay $0x1  }
0x176: {  	v31 =	vadd.f32 v31, v47;
	_ =	sdelay $0x1  }
0x177: {  	v31 =	vsub.f32 v31, v48;
	_ =	sdelay $0x1  }
0x178: {  	v31 =	vmul.f32 v31, v61;
	_ =	sdelay $0x1  }
0x179: {  	[tilespmem:v17+s17+$0x0] =	vst.idx.msk $0xffff, v31  }
0x17a: {  	v31 =	vld [tilespmem:$0xCC0]  }
0x17b: {  	v49 =	vld [tilespmem:$0xDB0];
	_ =	sdelay $0x3  }
0x17c: {  	v50 =	vld [tilespmem:$0x500]  }
0x17d: {  	v31 =	vadd.f32 v49, v31  }
0x17e: {  	v51 =	vld.idx.msk [tilespmem:v20+s9+$0x0], $0xffff  }
0x17f: {  	v31 =	vmul.f32 $5.000000000e-01, v31;
	_ =	sdelay $0x1  }
0x180: {  	v31 =	vadd.f32 v31, v50;
	_ =	sdelay $0x1  }
0x181: {  	v31 =	vsub.f32 v31, v51;
	_ =	sdelay $0x1  }
0x182: {  	v31 =	vmul.f32 v31, v61;
	_ =	sdelay $0x1  }
0x183: {  	[tilespmem:v20+s17+$0x0] =	vst.idx.msk $0xffff, v31  }
0x184: {  	v31 =	vld [tilespmem:$0xCD0]  }
0x185: {  	v52 =	vld [tilespmem:$0xDC0];
	_ =	sdelay $0x3  }
0x186: {  	v53 =	vld [tilespmem:$0x510]  }
0x187: {  	v31 =	vadd.f32 v52, v31  }
0x188: {  	v54 =	vld.idx.msk [tilespmem:v23+s9+$0x0], $0xffff  }
0x189: {  	v31 =	vmul.f32 $5.000000000e-01, v31;
	_ =	sdelay $0x1  }
0x18a: {  	v31 =	vadd.f32 v31, v53;
	_ =	sdelay $0x1  }
0x18b: {  	v31 =	vsub.f32 v31, v54;
	_ =	sdelay $0x1  }
0x18c: {  	v31 =	vmul.f32 v31, v61;
	_ =	sdelay $0x1  }
0x18d: {  	[tilespmem:v23+s17+$0x0] =	vst.idx.msk $0xffff, v31  }
0x18e: {  	v31 =	vld [tilespmem:$0xCE0]  }
0x18f: {  	v55 =	vld [tilespmem:$0xDD0];
	_ =	sdelay $0x3  }
0x190: {  	v56 =	vld [tilespmem:$0x520]  }
0x191: {  	v31 =	vadd.f32 v55, v31  }
0x192: {  	v57 =	vld.idx.msk [tilespmem:v26+s9+$0x0], $0xffff  }
0x193: {  	v31 =	vmul.f32 $5.000000000e-01, v31;
	_ =	sdelay $0x1  }
0x194: {  	v31 =	vadd.f32 v31, v56;
	_ =	sdelay $0x1  }
0x195: {  	v31 =	vsub.f32 v31, v57;
	_ =	sdelay $0x1  }
0x196: {  	v31 =	vmul.f32 v31, v61;
	_ =	sdelay $0x1  }
0x197: {  	[tilespmem:v26+s17+$0x0] =	vst.idx.msk $0xffff, v31  }
0x198: {  	v31 =	vld [tilespmem:$0xCF0]  }
0x199: {  	v58 =	vld [tilespmem:$0xDE0];
	_ =	sdelay $0x3  }
0x19a: {  	v59 =	vld [tilespmem:$0x530]  }
0x19b: {  	v31 =	vadd.f32 v58, v31  }
0x19c: {  	v60 =	vld.idx.msk [tilespmem:v29+s9+$0x0], $0xffff  }
0x19d: {  	v31 =	vmul.f32 $5.000000000e-01, v31;
	_ =	sdelay $0x1  }
0x19e: {  	v31 =	vadd.f32 v31, v59;
	_ =	sdelay $0x1  }
0x19f: {  	v31 =	vsub.f32 v31, v60;
	_ =	sdelay $0x1  }
0x1a0: {  	v31 =	vmul.f32 v31, v61;
	_ =	sdelay $0x1  }
0x1a1: {  	[tilespmem:v29+s17+$0x0] =	vst.idx.msk $0xffff, v31  }
0x1a2: {  	v31 =	vld [tilespmem:$0xB20]  }
0x1a3: {  	v61 =	vld [tilespmem:$0xC10];
	_ =	sdelay $0x3  }
0x1a4: {  	v62 =	vld [tilespmem:$0x540]  }
0x1a5: {  	v31 =	vadd.f32 v61, v31  }
0x1a6: {  	v63 =	vld.idx.msk [tilespmem:v2+s9+$0x0], $0xffff  }
0x1a7: {  	v31 =	vmul.f32 $5.000000000e-01, v31  }
0x1a8: {  	v36 =	vld [tilespmem:$0x620]  }
0x1a9: {  	v31 =	vadd.f32 v31, v62;
	_ =	sdelay $0x1  }
0x1aa: {  	v31 =	vsub.f32 v31, v63;
	_ =	sdelay $0x1  }
0x1ab: {  	v31 =	vmul.f32 v31, v36;
	_ =	sdelay $0x1  }
0x1ac: {  	[tilespmem:v2+s17+$0x0] =	vst.idx.msk $0xffff, v31  }
0x1ad: {  	v31 =	vld [tilespmem:$0xB30]  }
0x1ae: {  	v37 =	vld [tilespmem:$0xC20];
	_ =	sdelay $0x3  }
0x1af: {  	v38 =	vld [tilespmem:$0x550]  }
0x1b0: {  	v31 =	vadd.f32 v37, v31  }
0x1b1: {  	v39 =	vld.idx.msk [tilespmem:v6+s9+$0x0], $0xffff  }
0x1b2: {  	v31 =	vmul.f32 $5.000000000e-01, v31;
	_ =	sdelay $0x1  }
0x1b3: {  	v31 =	vadd.f32 v31, v38;
	_ =	sdelay $0x1  }
0x1b4: {  	v31 =	vsub.f32 v31, v39;
	_ =	sdelay $0x1  }
0x1b5: {  	v31 =	vmul.f32 v31, v36;
	_ =	sdelay $0x1  }
0x1b6: {  	[tilespmem:v6+s17+$0x0] =	vst.idx.msk $0xffff, v31  }
0x1b7: {  	v31 =	vld [tilespmem:$0xB40]  }
0x1b8: {  	v40 =	vld [tilespmem:$0xC30];
	_ =	sdelay $0x3  }
0x1b9: {  	v41 =	vld [tilespmem:$0x560]  }
0x1ba: {  	v31 =	vadd.f32 v40, v31  }
0x1bb: {  	v42 =	vld.idx.msk [tilespmem:v9+s9+$0x0], $0xffff  }
0x1bc: {  	v31 =	vmul.f32 $5.000000000e-01, v31;
	_ =	sdelay $0x1  }
0x1bd: {  	v31 =	vadd.f32 v31, v41;
	_ =	sdelay $0x1  }
0x1be: {  	v31 =	vsub.f32 v31, v42;
	_ =	sdelay $0x1  }
0x1bf: {  	v31 =	vmul.f32 v31, v36;
	_ =	sdelay $0x1  }
0x1c0: {  	[tilespmem:v9+s17+$0x0] =	vst.idx.msk $0xffff, v31  }
0x1c1: {  	v31 =	vld [tilespmem:$0xB50]  }
0x1c2: {  	v43 =	vld [tilespmem:$0xC40];
	_ =	sdelay $0x3  }
0x1c3: {  	v44 =	vld [tilespmem:$0x570]  }
0x1c4: {  	v31 =	vadd.f32 v43, v31  }
0x1c5: {  	v45 =	vld.idx.msk [tilespmem:v12+s9+$0x0], $0xffff  }
0x1c6: {  	v31 =	vmul.f32 $5.000000000e-01, v31;
	_ =	sdelay $0x1  }
0x1c7: {  	v31 =	vadd.f32 v31, v44;
	_ =	sdelay $0x1  }
0x1c8: {  	v31 =	vsub.f32 v31, v45;
	_ =	sdelay $0x1  }
0x1c9: {  	v31 =	vmul.f32 v31, v36;
	_ =	sdelay $0x1  }
0x1ca: {  	[tilespmem:v12+s17+$0x0] =	vst.idx.msk $0xffff, v31  }
0x1cb: {  	v31 =	vld [tilespmem:$0xB60]  }
0x1cc: {  	v46 =	vld [tilespmem:$0xC50];
	_ =	sdelay $0x3  }
0x1cd: {  	v47 =	vld [tilespmem:$0x580]  }
0x1ce: {  	v31 =	vadd.f32 v46, v31  }
0x1cf: {  	v48 =	vld.idx.msk [tilespmem:v15+s9+$0x0], $0xffff  }
0x1d0: {  	v31 =	vmul.f32 $5.000000000e-01, v31;
	_ =	sdelay $0x1  }
0x1d1: {  	v31 =	vadd.f32 v31, v47;
	_ =	sdelay $0x1  }
0x1d2: {  	v31 =	vsub.f32 v31, v48;
	_ =	sdelay $0x1  }
0x1d3: {  	v31 =	vmul.f32 v31, v36;
	_ =	sdelay $0x1  }
0x1d4: {  	[tilespmem:v15+s17+$0x0] =	vst.idx.msk $0xffff, v31  }
0x1d5: {  	v31 =	vld [tilespmem:$0xD00]  }
0x1d6: {  	v49 =	vld [tilespmem:$0xDF0];
	_ =	sdelay $0x3  }
0x1d7: {  	v50 =	vld [tilespmem:$0x590]  }
0x1d8: {  	v31 =	vadd.f32 v49, v31  }
0x1d9: {  	v51 =	vld.idx.msk [tilespmem:v18+s9+$0x0], $0xffff  }
0x1da: {  	v31 =	vmul.f32 $5.000000000e-01, v31;
	_ =	sdelay $0x1  }
0x1db: {  	v31 =	vadd.f32 v31, v50;
	_ =	sdelay $0x1  }
0x1dc: {  	v31 =	vsub.f32 v31, v51;
	_ =	sdelay $0x1  }
0x1dd: {  	v31 =	vmul.f32 v31, v36;
	_ =	sdelay $0x1  }
0x1de: {  	[tilespmem:v18+s17+$0x0] =	vst.idx.msk $0xffff, v31  }
0x1df: {  	v31 =	vld [tilespmem:$0xD10]  }
0x1e0: {  	v52 =	vld [tilespmem:$0xE00];
	_ =	sdelay $0x3  }
0x1e1: {  	v53 =	vld [tilespmem:$0x5A0]  }
0x1e2: {  	v31 =	vadd.f32 v52, v31  }
0x1e3: {  	v54 =	vld.idx.msk [tilespmem:v21+s9+$0x0], $0xffff  }
0x1e4: {  	v31 =	vmul.f32 $5.000000000e-01, v31;
	_ =	sdelay $0x1  }
0x1e5: {  	v31 =	vadd.f32 v31, v53;
	_ =	sdelay $0x1  }
0x1e6: {  	v31 =	vsub.f32 v31, v54;
	_ =	sdelay $0x1  }
0x1e7: {  	v31 =	vmul.f32 v31, v36;
	_ =	sdelay $0x1  }
0x1e8: {  	[tilespmem:v21+s17+$0x0] =	vst.idx.msk $0xffff, v31  }
0x1e9: {  	v31 =	vld [tilespmem:$0xD20]  }
0x1ea: {  	v55 =	vld [tilespmem:$0xE10];
	_ =	sdelay $0x3  }
0x1eb: {  	v56 =	vld [tilespmem:$0x5B0]  }
0x1ec: {  	v31 =	vadd.f32 v55, v31  }
0x1ed: {  	v57 =	vld.idx.msk [tilespmem:v24+s9+$0x0], $0xffff  }
0x1ee: {  	v31 =	vmul.f32 $5.000000000e-01, v31;
	_ =	sdelay $0x1  }
0x1ef: {  	v31 =	vadd.f32 v31, v56;
	_ =	sdelay $0x1  }
0x1f0: {  	v31 =	vsub.f32 v31, v57;
	_ =	sdelay $0x1  }
0x1f1: {  	v31 =	vmul.f32 v31, v36;
	_ =	sdelay $0x1  }
0x1f2: {  	[tilespmem:v24+s17+$0x0] =	vst.idx.msk $0xffff, v31  }
0x1f3: {  	v31 =	vld [tilespmem:$0xD30]  }
0x1f4: {  	v58 =	vld [tilespmem:$0xE20];
	_ =	sdelay $0x3  }
0x1f5: {  	v59 =	vld [tilespmem:$0x5C0]  }
0x1f6: {  	v31 =	vadd.f32 v58, v31  }
0x1f7: {  	v60 =	vld.idx.msk [tilespmem:v27+s9+$0x0], $0xffff  }
0x1f8: {  	v31 =	vmul.f32 $5.000000000e-01, v31;
	_ =	sdelay $0x1  }
0x1f9: {  	v31 =	vadd.f32 v31, v59;
	_ =	sdelay $0x1  }
0x1fa: {  	v31 =	vsub.f32 v31, v60;
	_ =	sdelay $0x1  }
0x1fb: {  	v31 =	vmul.f32 v31, v36;
	_ =	sdelay $0x1  }
0x1fc: {  	[tilespmem:v27+s17+$0x0] =	vst.idx.msk $0xffff, v31  }
0x1fd: {  	v31 =	vld [tilespmem:$0xD40]  }
0x1fe: {  	v61 =	vld [tilespmem:$0xE30];
	_ =	sdelay $0x3  }
0x1ff: {  	v62 =	vld [tilespmem:$0x5D0]  }
0x200: {  	v31 =	vadd.f32 v61, v31  }
0x201: {  	v63 =	vld.idx.msk [tilespmem:v30+s9+$0x0], $0xffff  }
0x202: {  	v31 =	vmul.f32 $5.000000000e-01, v31;
	_ =	sdelay $0x1  }
0x203: {  	v31 =	vadd.f32 v31, v62;
	_ =	sdelay $0x1  }
0x204: {  	v31 =	vsub.f32 v31, v63;
	_ =	sdelay $0x1  }
0x205: {  	v31 =	vmul.f32 v31, v36  }
0x206: {  	p0 =	sne.s32 s8, $0x1  }
.Ltmp0:
0x207: {  	[tilespmem:v30+s17+$0x0] =	vst.idx.msk $0xffff, v31;
	(pc) =	sbr.rel @p0 .LBB2_1-.Ltmp0, $4  }
0x208: {  	[hbm4b:s7+s2] =	stream.linear.scatter [tilespmem:s17], [sflag:$0x2], $0x1E0, $0x38;
	[tilespmem:$0x1080] =	vst v63  }
0x209: {  	_ =	swait.ge [sflag:s18], $0x1E0  }
0x20a: {  	[sflag:s18] =	ssyncset.done $0x0  }
0x20b: {  	s8 =	sadd.s32 $0xFFFFFFFF, s8;
	[sflag:s18] =	ssyncadd.s32 $0xFFFFFE20  }
0x20c: {  	_ =	sfence.sel $0x180000  }
0x20d: {  	[bflag:$0x0] =	sbarrier.arrive $0xFFFF  }
0x20e: {  	p0 =	sne.s32 s0, $0x0;
	_ =	strace $0x90000047  }
0x20f: {  	s0 =	sadd.s32 @!p0 $0x100000, s1;
	[bflag:$0x2] =	sbarrier.arrive $0xFFFF  }
0x210: {  	[sflag:s0] =	ssyncadd.tile.s32 @!p0 $0x1;
	_ =	shalt  }
.Lfunc_end2:
_tile_overlayer_lowered:
.L_overlay_start_2:
0x211: {  	(tag) =	ssettag $0x2  }
0x212: {  	s0 =	rddreg [dreg:$0x0];
	s2 =	stileid.u32  }
0x213: {  	s1 =	rddreg [dreg:$0x1];
	p0 =	sne.s32 s2, $0x0  }
0x214: {  	s3 =	rddreg [dreg:$0x2];
	[bflag:$0x3] =	sbarrier.arrive $0xFFFF;
	s2 =	simm.s32 @!p0 $0x1C02  }
0x215: {  	[timem:s3], [sflag:s2] =	dma.local @!p0 [hbm:s0], s1  }
0x216: {  	s0 =	simm.s32 @!p0 $0x2  }
0x217: {  	_ =	swait.ge @!p0 [sflag:s0], s1  }
0x218: {  	s1 =	ssub.s32 @!p0 $0x0, s1;
	[sflag:s0] =	ssyncset.done @!p0 $0x0  }
0x219: {  	[sflag:s0] =	ssyncadd.s32 @!p0 s1  }
0x21a: {  	[bflag:$0x3] =	sbarrier.arrive $0xFFFF  }
0x21b: {  	_ =	shalt  }

</sc_bundles>
